<compile_context>
chip_gen: v7x
topology: tpu7x:2x2x1
jax: 0.10.2.dev20260603
libtpu: 0.0.44.dev20260713+nightly
codegen_flags: <defaults>
</compile_context>

<pallas_src>
import jax
import jax.numpy as jnp
from jax.experimental import pallas as pl

N = 262144
D = 64
N2 = N // 2
D2 = 128
R2 = 4096
TARGET_IDX = 0
TEST = 0.0

VR = 2048
VC = N // VR


def _threefry_bits(rows_u32):
    ks0 = jnp.uint32(0)
    ks1 = jnp.uint32(42)
    ks2 = jnp.uint32(0x1BD11BDA) ^ ks0 ^ ks1
    ks = (ks0, ks1, ks2)
    rotations = ((13, 15, 26, 6), (17, 29, 16, 24))
    x0 = jnp.zeros_like(rows_u32) + ks0
    x1 = rows_u32 + ks1
    for i in range(5):
        for r in rotations[i % 2]:
            x0 = x0 + x1
            x1 = (x1 << jnp.uint32(r)) | (x1 >> jnp.uint32(32 - r))
            x1 = x0 ^ x1
        x0 = x0 + ks[(i + 1) % 3]
        x1 = x1 + ks[(i + 2) % 3] + jnp.uint32(i + 1)
    return x0 ^ x1


def _p_left(tc, td):
    lb = tc - td
    rb = tc + td
    test = jnp.float32(TEST)
    cross = jnp.logical_and(rb > test, lb <= test)
    denom = jnp.where(cross, rb - lb, jnp.float32(1.0))
    p_left = jnp.where(rb <= test, jnp.float32(1.0),
                       jnp.where(lb > test, jnp.float32(0.0),
                                 (test - lb) / denom))
    return jnp.clip(p_left, 0.0, 1.0)


def _new_cols(tc1, td1):
    test = jnp.float32(TEST)
    lb1 = tc1 - td1
    rb1 = tc1 + td1
    min_rt = jnp.minimum(rb1, test)
    new_lc = (lb1 + min_rt) * jnp.float32(0.5)
    new_ld = (min_rt - lb1) * jnp.float32(0.5)
    max_lt = jnp.maximum(lb1, test)
    new_rc = (max_lt + rb1) * jnp.float32(0.5)
    new_rd = (rb1 - max_lt) * jnp.float32(0.5)
    return new_lc, new_ld, new_rc, new_rd


def _vec_kernel(tc_ref, td_ref, p_ref,
                lp_ref, rp_ref, left_ref, right_ref):
    p_left = _p_left(tc_ref[...], td_ref[...])

    rows = (jax.lax.broadcasted_iota(jnp.uint32, (VR, VC), 0) * jnp.uint32(VC)
            + jax.lax.broadcasted_iota(jnp.uint32, (VR, VC), 1))
    bits = _threefry_bits(rows)
    fbits = (bits >> jnp.uint32(9)) | jnp.uint32(0x3F800000)
    u = jax.lax.bitcast_convert_type(fbits, jnp.float32) - jnp.float32(1.0)
    left = (u < p_left).astype(jnp.float32)

    pv = p_ref[...]
    lp_ref[...] = pv + jnp.log(jnp.maximum(p_left, jnp.float32(1e-12)))
    rp_ref[...] = pv + jnp.log(jnp.maximum(jnp.float32(1.0) - p_left,
                                           jnp.float32(1e-12)))
    left_ref[...] = left
    right_ref[...] = jnp.float32(1.0) - left


def _copy_kernel(c_ref, d_ref, lc_ref, ld_ref, rc_ref, rd_ref):
    cb = c_ref[...]
    db = d_ref[...]
    lane = jax.lax.broadcasted_iota(jnp.int32, (R2, D2), 1)
    m = jnp.logical_or(lane == 0, lane == 64)
    new_lc, new_ld, new_rc, new_rd = _new_cols(cb, db)
    lc_ref[...] = jnp.where(m, new_lc, cb)
    ld_ref[...] = jnp.where(m, new_ld, db)
    rc_ref[...] = jnp.where(m, new_rc, cb)
    rd_ref[...] = jnp.where(m, new_rd, db)


def kernel(c, delta, p):
    tc = c[:, TARGET_IDX].reshape(VR, VC)
    td = delta[:, TARGET_IDX].reshape(VR, VC)
    p2 = p.reshape(VR, VC)

    vec_out = jax.ShapeDtypeStruct((VR, VC), jnp.float32)
    whole = pl.BlockSpec((VR, VC), lambda: (0, 0))
    logp_left, logp_right, left, right = pl.pallas_call(
        _vec_kernel,
        grid=(),
        in_specs=[whole, whole, whole],
        out_specs=[whole, whole, whole, whole],
        out_shape=[vec_out, vec_out, vec_out, vec_out],
    )(tc, td, p2)
    logp_left = logp_left.reshape(N)
    logp_right = logp_right.reshape(N)
    left = left.reshape(N)
    right = right.reshape(N)

    c2 = c.reshape(N2, D2)
    d2 = delta.reshape(N2, D2)
    mat_spec = pl.BlockSpec((R2, D2), lambda i: (i, 0))
    mat_out = jax.ShapeDtypeStruct((N2, D2), jnp.float32)
    xlc, xld, xrc, xrd = pl.pallas_call(
        _copy_kernel,
        grid=(N2 // R2,),
        in_specs=[mat_spec, mat_spec],
        out_specs=[mat_spec, mat_spec, mat_spec, mat_spec],
        out_shape=[mat_out, mat_out, mat_out, mat_out],
    )(c2, d2)

    return (xlc.reshape(N, D), xld.reshape(N, D), logp_left,
            xrc.reshape(N, D), xrd.reshape(N, D), logp_right, left, right)

# --- scband reference (transcript-rebuilt; emitter-appended) ---
"""Pipeline reference for scband-if-else-18468359372928 (READ-ONLY COPY).

The authoritative reference and input builder live on the scoring server;
editing this copy changes nothing except your own understanding.
"""

import jax, jax.numpy as jnp
import numpy as np

TARGET_IDX = 0
TEST = 0.0

def setup_inputs(seed: int = 0) -> dict:
    key = jax.random.key(seed)
    k1, k2 = jax.random.split(key)
    c = jax.random.normal(k1, (262144, 64), dtype=jnp.float32)
    delta = jax.random.uniform(k2, (262144, 64), dtype=jnp.float32)
    p = jnp.zeros((262144,), dtype=jnp.float32)
    return {"c": c, "delta": delta, "p": p}

def reference(c, delta, p):
    # Box bounds for the branch target dimension
    tc = c[:, TARGET_IDX]
    td = delta[:, TARGET_IDX]
    lb = tc - td          # target.getLeft()
    rb = tc + td          # target.getRight()
    test = TEST
    # extract_branch_probability
    cross = jnp.logical_and(rb > test, lb <= test)
    denom = jnp.where(cross, rb - lb, 1.0)
    p_left = jnp.where(rb <= test, 1.0,
             jnp.where(lb > test, 0.0, (test - lb) / denom))
    p_left = jnp.clip(p_left, 0.0, 1.0)
    p_right = 1.0 - p_left
    # sample_from_p (Bernoulli)
    skey = jax.random.key(42)
    left = jax.random.bernoulli(skey, jax.lax.stop_gradient(p_left))
    right = jnp.logical_not(left)
    # left-branch box refinement on the target column
    min_rt = jnp.minimum(rb, test)
    new_lc = (lb + min_rt) / 2.0
    new_ld = (min_rt - lb) / 2.0
    # right-branch box refinement on the target column
    max_lt = jnp.maximum(lb, test)
    new_rc = (max_lt + rb) / 2.0
    new_rd = (rb - max_lt) / 2.0
    x_left_c = c.at[:, TARGET_IDX].set(new_lc)
    x_left_delta = delta.at[:, TARGET_IDX].set(new_ld)
    x_right_c = c.at[:, TARGET_IDX].set(new_rc)
    x_right_delta = delta.at[:, TARGET_IDX].set(new_rd)
    # log-probability accumulation (p_list update)
    logp_left = p + jnp.log(jnp.maximum(p_left, 1e-12))
    logp_right = p + jnp.log(jnp.maximum(p_right, 1e-12))
    return (x_left_c, x_left_delta, logp_left,
            x_right_c, x_right_delta, logp_right,
            left.astype(jnp.float32), right.astype(jnp.float32))

if __name__ == "__main__":
    import jax
    _d = setup_inputs()
    print(jax.jit(kernel)(*tuple(_d.values())))

</pallas_src>

<mosaic_0001>
module attributes {stable_mosaic.version = 14 : i64} {
  func.func @_copy_kernel(%arg0: i32, %arg1: memref<4096x128xf32, #tpu.memory_space<vmem>>, %arg2: memref<4096x128xf32, #tpu.memory_space<vmem>>, %arg3: memref<4096x128xf32, #tpu.memory_space<vmem>>, %arg4: memref<4096x128xf32, #tpu.memory_space<vmem>>, %arg5: memref<4096x128xf32, #tpu.memory_space<vmem>>, %arg6: memref<4096x128xf32, #tpu.memory_space<vmem>>) attributes {dimension_semantics = [#tpu.dimension_semantics<arbitrary>], iteration_bounds = array<i64: 32>, scalar_prefetch = 0 : i64, scratch_operands = 0 : i64, tpu.core_type = #tpu.core_type<tc>, window_params = [{transform_indices = @transform_0, window_bounds = array<i64: 4096, 128>}, {transform_indices = @transform_1, window_bounds = array<i64: 4096, 128>}, {transform_indices = @transform_2, window_bounds = array<i64: 4096, 128>}, {transform_indices = @transform_3, window_bounds = array<i64: 4096, 128>}, {transform_indices = @transform_4, window_bounds = array<i64: 4096, 128>}, {transform_indices = @transform_5, window_bounds = array<i64: 4096, 128>}]} {
    %get3A = arith.constant 0 : index
    %get3A_0 = arith.constant 0 : index
    %get3A_1 = vector.load %arg1[%get3A, %get3A_0] : memref<4096x128xf32, #tpu.memory_space<vmem>>, vector<4096x128xf32>
    %get3A_2 = arith.constant 0 : index
    %get3A_3 = arith.constant 0 : index
    %get3A_4 = vector.load %arg2[%get3A_2, %get3A_3] : memref<4096x128xf32, #tpu.memory_space<vmem>>, vector<4096x128xf32>
    %iota3A = tpu.iota {dimensions = array<i32: 1>} : vector<4096x128xi32>
    %eq3A = arith.constant 0 : i32
    %eq3A_5 = vector.broadcast %eq3A : i32 to vector<4096x128xi32>
    %eq3A_6 = arith.cmpi eq, %iota3A, %eq3A_5 : vector<4096x128xi32>
    %eq3A_7 = arith.constant 64 : i32
    %eq3A_8 = vector.broadcast %eq3A_7 : i32 to vector<4096x128xi32>
    %eq3A_9 = arith.cmpi eq, %iota3A, %eq3A_8 : vector<4096x128xi32>
    %or3A = arith.ori %eq3A_6, %eq3A_9 : vector<4096x128xi1>
    %sub3A = arith.subf %get3A_1, %get3A_4 : vector<4096x128xf32>
    %add3A = arith.addf %get3A_1, %get3A_4 : vector<4096x128xf32>
    %min3A = arith.constant 0.000000e+00 : f32
    %min3A_10 = vector.broadcast %min3A : f32 to vector<4096x128xf32>
    %min3A_11 = arith.minimumf %add3A, %min3A_10 : vector<4096x128xf32>
    %add3A_12 = arith.addf %sub3A, %min3A_11 : vector<4096x128xf32>
    %mul3A = arith.constant 5.000000e-01 : f32
    %mul3A_13 = vector.broadcast %mul3A : f32 to vector<4096x128xf32>
    %mul3A_14 = arith.mulf %add3A_12, %mul3A_13 : vector<4096x128xf32>
    %sub3A_15 = arith.subf %min3A_11, %sub3A : vector<4096x128xf32>
    %mul3A_16 = arith.constant 5.000000e-01 : f32
    %mul3A_17 = vector.broadcast %mul3A_16 : f32 to vector<4096x128xf32>
    %mul3A_18 = arith.mulf %sub3A_15, %mul3A_17 : vector<4096x128xf32>
    %max3A = arith.constant 0.000000e+00 : f32
    %max3A_19 = vector.broadcast %max3A : f32 to vector<4096x128xf32>
    %max3A_20 = arith.maximumf %sub3A, %max3A_19 : vector<4096x128xf32>
    %add3A_21 = arith.addf %max3A_20, %add3A : vector<4096x128xf32>
    %mul3A_22 = arith.constant 5.000000e-01 : f32
    %mul3A_23 = vector.broadcast %mul3A_22 : f32 to vector<4096x128xf32>
    %mul3A_24 = arith.mulf %add3A_21, %mul3A_23 : vector<4096x128xf32>
    %sub3A_25 = arith.subf %add3A, %max3A_20 : vector<4096x128xf32>
    %mul3A_26 = arith.constant 5.000000e-01 : f32
    %mul3A_27 = vector.broadcast %mul3A_26 : f32 to vector<4096x128xf32>
    %mul3A_28 = arith.mulf %sub3A_25, %mul3A_27 : vector<4096x128xf32>
    %select_n3A = arith.select %or3A, %mul3A_14, %get3A_1 : vector<4096x128xi1>, vector<4096x128xf32>
    %swap3A = arith.constant 0 : index
    %swap3A_29 = arith.constant 0 : index
    %swap3A_30 = vector.load %arg3[%swap3A, %swap3A_29] : memref<4096x128xf32, #tpu.memory_space<vmem>>, vector<4096x128xf32>
    tpu.vector_store %arg3[%swap3A, %swap3A_29], %select_n3A {strides = array<i32>} : memref<4096x128xf32, #tpu.memory_space<vmem>>, vector<4096x128xf32>,
    %select_n3A_31 = arith.select %or3A, %mul3A_18, %get3A_4 : vector<4096x128xi1>, vector<4096x128xf32>
    %swap3A_32 = arith.constant 0 : index
    %swap3A_33 = arith.constant 0 : index
    %swap3A_34 = vector.load %arg4[%swap3A_32, %swap3A_33] : memref<4096x128xf32, #tpu.memory_space<vmem>>, vector<4096x128xf32>
    tpu.vector_store %arg4[%swap3A_32, %swap3A_33], %select_n3A_31 {strides = array<i32>} : memref<4096x128xf32, #tpu.memory_space<vmem>>, vector<4096x128xf32>,
    %select_n3A_35 = arith.select %or3A, %mul3A_24, %get3A_1 : vector<4096x128xi1>, vector<4096x128xf32>
    %swap3A_36 = arith.constant 0 : index
    %swap3A_37 = arith.constant 0 : index
    %swap3A_38 = vector.load %arg5[%swap3A_36, %swap3A_37] : memref<4096x128xf32, #tpu.memory_space<vmem>>, vector<4096x128xf32>
    tpu.vector_store %arg5[%swap3A_36, %swap3A_37], %select_n3A_35 {strides = array<i32>} : memref<4096x128xf32, #tpu.memory_space<vmem>>, vector<4096x128xf32>,
    %select_n3A_39 = arith.select %or3A, %mul3A_28, %get3A_4 : vector<4096x128xi1>, vector<4096x128xf32>
    %swap3A_40 = arith.constant 0 : index
    %swap3A_41 = arith.constant 0 : index
    %swap3A_42 = vector.load %arg6[%swap3A_40, %swap3A_41] : memref<4096x128xf32, #tpu.memory_space<vmem>>, vector<4096x128xf32>
    tpu.vector_store %arg6[%swap3A_40, %swap3A_41], %select_n3A_39 {strides = array<i32>} : memref<4096x128xf32, #tpu.memory_space<vmem>>, vector<4096x128xf32>,
    return
  }
  func.func @transform_0(%arg0: i32) -> (i32, i32) {
    %c0_i32 = arith.constant 0 : i32
    %c0_i32_0 = arith.constant 0 : i32
    return %arg0, %c0_i32 : i32, i32
  }
  func.func @transform_1(%arg0: i32) -> (i32, i32) {
    %c0_i32 = arith.constant 0 : i32
    %c0_i32_0 = arith.constant 0 : i32
    return %arg0, %c0_i32 : i32, i32
  }
  func.func @transform_2(%arg0: i32) -> (i32, i32) {
    %c0_i32 = arith.constant 0 : i32
    %c0_i32_0 = arith.constant 0 : i32
    return %arg0, %c0_i32 : i32, i32
  }
  func.func @transform_3(%arg0: i32) -> (i32, i32) {
    %c0_i32 = arith.constant 0 : i32
    %c0_i32_0 = arith.constant 0 : i32
    return %arg0, %c0_i32 : i32, i32
  }
  func.func @transform_4(%arg0: i32) -> (i32, i32) {
    %c0_i32 = arith.constant 0 : i32
    %c0_i32_0 = arith.constant 0 : i32
    return %arg0, %c0_i32 : i32, i32
  }
  func.func @transform_5(%arg0: i32) -> (i32, i32) {
    %c0_i32 = arith.constant 0 : i32
    %c0_i32_0 = arith.constant 0 : i32
    return %arg0, %c0_i32 : i32, i32
  }
}

module attributes {stable_mosaic.version = 14 : i64} {
  func.func @_vec_kernel(%arg0: memref<2048x128xf32, #tpu.memory_space<vmem>>, %arg1: memref<2048x128xf32, #tpu.memory_space<vmem>>, %arg2: memref<2048x128xf32, #tpu.memory_space<vmem>>, %arg3: memref<2048x128xf32, #tpu.memory_space<vmem>>, %arg4: memref<2048x128xf32, #tpu.memory_space<vmem>>, %arg5: memref<2048x128xf32, #tpu.memory_space<vmem>>, %arg6: memref<2048x128xf32, #tpu.memory_space<vmem>>) attributes {dimension_semantics = [], scalar_prefetch = 0 : i64, scratch_operands = 0 : i64, tpu.core_type = #tpu.core_type<tc>} {
    %get3A = arith.constant 0 : index
    %get3A_0 = arith.constant 0 : index
    %get3A_1 = vector.load %arg0[%get3A, %get3A_0] : memref<2048x128xf32, #tpu.memory_space<vmem>>, vector<2048x128xf32>
    %get3A_2 = arith.constant 0 : index
    %get3A_3 = arith.constant 0 : index
    %get3A_4 = vector.load %arg1[%get3A_2, %get3A_3] : memref<2048x128xf32, #tpu.memory_space<vmem>>, vector<2048x128xf32>
    %sub3A = arith.subf %get3A_1, %get3A_4 : vector<2048x128xf32>
    %add3A = arith.addf %get3A_1, %get3A_4 : vector<2048x128xf32>
    %gt3A = arith.constant 0.000000e+00 : f32
    %gt3A_5 = vector.broadcast %gt3A : f32 to vector<2048x128xf32>
    %gt3A_6 = arith.cmpf ogt, %add3A, %gt3A_5 : vector<2048x128xf32>
    %le3A = arith.constant 0.000000e+00 : f32
    %le3A_7 = vector.broadcast %le3A : f32 to vector<2048x128xf32>
    %le3A_8 = arith.cmpf ole, %sub3A, %le3A_7 : vector<2048x128xf32>
    %and3A = arith.andi %gt3A_6, %le3A_8 : vector<2048x128xi1>
    %sub3A_9 = arith.subf %add3A, %sub3A : vector<2048x128xf32>
    %jit3A = arith.constant 1.000000e+00 : f32
    %broadcast_in_dim3A = vector.broadcast %jit3A : f32 to vector<2048x128xf32>
    %select_n3A = arith.select %and3A, %sub3A_9, %broadcast_in_dim3A : vector<2048x128xi1>, vector<2048x128xf32>
    %le3A_10 = arith.constant 0.000000e+00 : f32
    %le3A_11 = vector.broadcast %le3A_10 : f32 to vector<2048x128xf32>
    %le3A_12 = arith.cmpf ole, %add3A, %le3A_11 : vector<2048x128xf32>
    %gt3A_13 = arith.constant 0.000000e+00 : f32
    %gt3A_14 = vector.broadcast %gt3A_13 : f32 to vector<2048x128xf32>
    %gt3A_15 = arith.cmpf ogt, %sub3A, %gt3A_14 : vector<2048x128xf32>
    %sub3A_16 = arith.constant 0.000000e+00 : f32
    %sub3A_17 = vector.broadcast %sub3A_16 : f32 to vector<2048x128xf32>
    %sub3A_18 = arith.subf %sub3A_17, %sub3A : vector<2048x128xf32>
    %div3A = arith.divf %sub3A_18, %select_n3A : vector<2048x128xf32>
    %jit3A_19 = arith.constant 0.000000e+00 : f32
    %broadcast_in_dim3A_20 = vector.broadcast %jit3A_19 : f32 to vector<2048x128xf32>
    %select_n3A_21 = arith.select %gt3A_15, %broadcast_in_dim3A_20, %div3A : vector<2048x128xi1>, vector<2048x128xf32>
    %jit3A_22 = arith.constant 1.000000e+00 : f32
    %broadcast_in_dim3A_23 = vector.broadcast %jit3A_22 : f32 to vector<2048x128xf32>
    %select_n3A_24 = arith.select %le3A_12, %broadcast_in_dim3A_23, %select_n3A_21 : vector<2048x128xi1>, vector<2048x128xf32>
    %jit3A_25 = arith.constant 0.000000e+00 : f32
    %jit3A_26 = arith.constant 1.000000e+00 : f32
    %max3A = vector.broadcast %jit3A_25 : f32 to vector<2048x128xf32>
    %max3A_27 = arith.maximumf %max3A, %select_n3A_24 : vector<2048x128xf32>
    %min3A = vector.broadcast %jit3A_26 : f32 to vector<2048x128xf32>
    %min3A_28 = arith.minimumf %min3A, %max3A_27 : vector<2048x128xf32>
    %iota3A = tpu.iota {dimensions = array<i32: 0>} : vector<2048x128xi32>
    %mul3A = arith.constant 128 : i32
    %mul3A_29 = vector.broadcast %mul3A : i32 to vector<2048x128xi32>
    %mul3A_30 = arith.muli %iota3A, %mul3A_29 : vector<2048x128xi32>
    %iota3A_31 = tpu.iota {dimensions = array<i32: 1>} : vector<2048x128xi32>
    %add3A_32 = arith.addi %mul3A_30, %iota3A_31 : vector<2048x128xi32>
    %xor3A = arith.constant 466688986 : i32
    %xor3A_33 = arith.constant 0 : i32
    %xor3A_34 = arith.xori %xor3A, %xor3A_33 : i32
    %xor3A_35 = arith.constant 42 : i32
    %xor3A_36 = arith.xori %xor3A_34, %xor3A_35 : i32
    %broadcast_in_dim3A_37 = arith.constant 0 : i32
    %broadcast_in_dim3A_38 = vector.broadcast %broadcast_in_dim3A_37 : i32 to vector<2048x128xi32>
    %add3A_39 = arith.constant 0 : i32
    %add3A_40 = vector.broadcast %add3A_39 : i32 to vector<2048x128xi32>
    %add3A_41 = arith.addi %broadcast_in_dim3A_38, %add3A_40 : vector<2048x128xi32>
    %add3A_42 = arith.constant 42 : i32
    %add3A_43 = vector.broadcast %add3A_42 : i32 to vector<2048x128xi32>
    %add3A_44 = arith.addi %add3A_32, %add3A_43 : vector<2048x128xi32>
    %add3A_45 = arith.addi %add3A_41, %add3A_44 : vector<2048x128xi32>
    %shift_left3A = arith.constant 13 : i32
    %shift_left3A_46 = vector.broadcast %shift_left3A : i32 to vector<2048x128xi32>
    %shift_left3A_47 = arith.shli %add3A_44, %shift_left3A_46 : vector<2048x128xi32>
    %shift_right_logical3A = arith.constant 19 : i32
    %shift_right_logical3A_48 = vector.broadcast %shift_right_logical3A : i32 to vector<2048x128xi32>
    %shift_right_logical3A_49 = arith.shrui %add3A_44, %shift_right_logical3A_48 : vector<2048x128xi32>
    %or3A = arith.ori %shift_left3A_47, %shift_right_logical3A_49 : vector<2048x128xi32>
    %xor3A_50 = arith.xori %add3A_45, %or3A : vector<2048x128xi32>
    %add3A_51 = arith.addi %add3A_45, %xor3A_50 : vector<2048x128xi32>
    %shift_left3A_52 = arith.constant 15 : i32
    %shift_left3A_53 = vector.broadcast %shift_left3A_52 : i32 to vector<2048x128xi32>
    %shift_left3A_54 = arith.shli %xor3A_50, %shift_left3A_53 : vector<2048x128xi32>
    %shift_right_logical3A_55 = arith.constant 17 : i32
    %shift_right_logical3A_56 = vector.broadcast %shift_right_logical3A_55 : i32 to vector<2048x128xi32>
    %shift_right_logical3A_57 = arith.shrui %xor3A_50, %shift_right_logical3A_56 : vector<2048x128xi32>
    %or3A_58 = arith.ori %shift_left3A_54, %shift_right_logical3A_57 : vector<2048x128xi32>
    %xor3A_59 = arith.xori %add3A_51, %or3A_58 : vector<2048x128xi32>
    %add3A_60 = arith.addi %add3A_51, %xor3A_59 : vector<2048x128xi32>
    %shift_left3A_61 = arith.constant 26 : i32
    %shift_left3A_62 = vector.broadcast %shift_left3A_61 : i32 to vector<2048x128xi32>
    %shift_left3A_63 = arith.shli %xor3A_59, %shift_left3A_62 : vector<2048x128xi32>
    %shift_right_logical3A_64 = arith.constant 6 : i32
    %shift_right_logical3A_65 = vector.broadcast %shift_right_logical3A_64 : i32 to vector<2048x128xi32>
    %shift_right_logical3A_66 = arith.shrui %xor3A_59, %shift_right_logical3A_65 : vector<2048x128xi32>
    %or3A_67 = arith.ori %shift_left3A_63, %shift_right_logical3A_66 : vector<2048x128xi32>
    %xor3A_68 = arith.xori %add3A_60, %or3A_67 : vector<2048x128xi32>
    %add3A_69 = arith.addi %add3A_60, %xor3A_68 : vector<2048x128xi32>
    %shift_left3A_70 = arith.constant 6 : i32
    %shift_left3A_71 = vector.broadcast %shift_left3A_70 : i32 to vector<2048x128xi32>
    %shift_left3A_72 = arith.shli %xor3A_68, %shift_left3A_71 : vector<2048x128xi32>
    %shift_right_logical3A_73 = arith.constant 26 : i32
    %shift_right_logical3A_74 = vector.broadcast %shift_right_logical3A_73 : i32 to vector<2048x128xi32>
    %shift_right_logical3A_75 = arith.shrui %xor3A_68, %shift_right_logical3A_74 : vector<2048x128xi32>
    %or3A_76 = arith.ori %shift_left3A_72, %shift_right_logical3A_75 : vector<2048x128xi32>
    %xor3A_77 = arith.xori %add3A_69, %or3A_76 : vector<2048x128xi32>
    %add3A_78 = arith.constant 42 : i32
    %add3A_79 = vector.broadcast %add3A_78 : i32 to vector<2048x128xi32>
    %add3A_80 = arith.addi %add3A_69, %add3A_79 : vector<2048x128xi32>
    %add3A_81 = vector.broadcast %xor3A_36 : i32 to vector<2048x128xi32>
    %add3A_82 = arith.addi %xor3A_77, %add3A_81 : vector<2048x128xi32>
    %add3A_83 = arith.constant 1 : i32
    %add3A_84 = vector.broadcast %add3A_83 : i32 to vector<2048x128xi32>
    %add3A_85 = arith.addi %add3A_82, %add3A_84 : vector<2048x128xi32>
    %add3A_86 = arith.addi %add3A_80, %add3A_85 : vector<2048x128xi32>
    %shift_left3A_87 = arith.constant 17 : i32
    %shift_left3A_88 = vector.broadcast %shift_left3A_87 : i32 to vector<2048x128xi32>
    %shift_left3A_89 = arith.shli %add3A_85, %shift_left3A_88 : vector<2048x128xi32>
    %shift_right_logical3A_90 = arith.constant 15 : i32
    %shift_right_logical3A_91 = vector.broadcast %shift_right_logical3A_90 : i32 to vector<2048x128xi32>
    %shift_right_logical3A_92 = arith.shrui %add3A_85, %shift_right_logical3A_91 : vector<2048x128xi32>
    %or3A_93 = arith.ori %shift_left3A_89, %shift_right_logical3A_92 : vector<2048x128xi32>
    %xor3A_94 = arith.xori %add3A_86, %or3A_93 : vector<2048x128xi32>
    %add3A_95 = arith.addi %add3A_86, %xor3A_94 : vector<2048x128xi32>
    %shift_left3A_96 = arith.constant 29 : i32
    %shift_left3A_97 = vector.broadcast %shift_left3A_96 : i32 to vector<2048x128xi32>
    %shift_left3A_98 = arith.shli %xor3A_94, %shift_left3A_97 : vector<2048x128xi32>
    %shift_right_logical3A_99 = arith.constant 3 : i32
    %shift_right_logical3A_100 = vector.broadcast %shift_right_logical3A_99 : i32 to vector<2048x128xi32>
    %shift_right_logical3A_101 = arith.shrui %xor3A_94, %shift_right_logical3A_100 : vector<2048x128xi32>
    %or3A_102 = arith.ori %shift_left3A_98, %shift_right_logical3A_101 : vector<2048x128xi32>
    %xor3A_103 = arith.xori %add3A_95, %or3A_102 : vector<2048x128xi32>
    %add3A_104 = arith.addi %add3A_95, %xor3A_103 : vector<2048x128xi32>
    %shift_left3A_105 = arith.constant 16 : i32
    %shift_left3A_106 = vector.broadcast %shift_left3A_105 : i32 to vector<2048x128xi32>
    %shift_left3A_107 = arith.shli %xor3A_103, %shift_left3A_106 : vector<2048x128xi32>
    %shift_right_logical3A_108 = arith.constant 16 : i32
    %shift_right_logical3A_109 = vector.broadcast %shift_right_logical3A_108 : i32 to vector<2048x128xi32>
    %shift_right_logical3A_110 = arith.shrui %xor3A_103, %shift_right_logical3A_109 : vector<2048x128xi32>
    %or3A_111 = arith.ori %shift_left3A_107, %shift_right_logical3A_110 : vector<2048x128xi32>
    %xor3A_112 = arith.xori %add3A_104, %or3A_111 : vector<2048x128xi32>
    %add3A_113 = arith.addi %add3A_104, %xor3A_112 : vector<2048x128xi32>
    %shift_left3A_114 = arith.constant 24 : i32
    %shift_left3A_115 = vector.broadcast %shift_left3A_114 : i32 to vector<2048x128xi32>
    %shift_left3A_116 = arith.shli %xor3A_112, %shift_left3A_115 : vector<2048x128xi32>
    %shift_right_logical3A_117 = arith.constant 8 : i32
    %shift_right_logical3A_118 = vector.broadcast %shift_right_logical3A_117 : i32 to vector<2048x128xi32>
    %shift_right_logical3A_119 = arith.shrui %xor3A_112, %shift_right_logical3A_118 : vector<2048x128xi32>
    %or3A_120 = arith.ori %shift_left3A_116, %shift_right_logical3A_119 : vector<2048x128xi32>
    %xor3A_121 = arith.xori %add3A_113, %or3A_120 : vector<2048x128xi32>
    %add3A_122 = vector.broadcast %xor3A_36 : i32 to vector<2048x128xi32>
    %add3A_123 = arith.addi %add3A_113, %add3A_122 : vector<2048x128xi32>
    %add3A_124 = arith.constant 0 : i32
    %add3A_125 = vector.broadcast %add3A_124 : i32 to vector<2048x128xi32>
    %add3A_126 = arith.addi %xor3A_121, %add3A_125 : vector<2048x128xi32>
    %add3A_127 = arith.constant 2 : i32
    %add3A_128 = vector.broadcast %add3A_127 : i32 to vector<2048x128xi32>
    %add3A_129 = arith.addi %add3A_126, %add3A_128 : vector<2048x128xi32>
    %add3A_130 = arith.addi %add3A_123, %add3A_129 : vector<2048x128xi32>
    %shift_left3A_131 = arith.constant 13 : i32
    %shift_left3A_132 = vector.broadcast %shift_left3A_131 : i32 to vector<2048x128xi32>
    %shift_left3A_133 = arith.shli %add3A_129, %shift_left3A_132 : vector<2048x128xi32>
    %shift_right_logical3A_134 = arith.constant 19 : i32
    %shift_right_logical3A_135 = vector.broadcast %shift_right_logical3A_134 : i32 to vector<2048x128xi32>
    %shift_right_logical3A_136 = arith.shrui %add3A_129, %shift_right_logical3A_135 : vector<2048x128xi32>
    %or3A_137 = arith.ori %shift_left3A_133, %shift_right_logical3A_136 : vector<2048x128xi32>
    %xor3A_138 = arith.xori %add3A_130, %or3A_137 : vector<2048x128xi32>
    %add3A_139 = arith.addi %add3A_130, %xor3A_138 : vector<2048x128xi32>
    %shift_left3A_140 = arith.constant 15 : i32
    %shift_left3A_141 = vector.broadcast %shift_left3A_140 : i32 to vector<2048x128xi32>
    %shift_left3A_142 = arith.shli %xor3A_138, %shift_left3A_141 : vector<2048x128xi32>
    %shift_right_logical3A_143 = arith.constant 17 : i32
    %shift_right_logical3A_144 = vector.broadcast %shift_right_logical3A_143 : i32 to vector<2048x128xi32>
    %shift_right_logical3A_145 = arith.shrui %xor3A_138, %shift_right_logical3A_144 : vector<2048x128xi32>
    %or3A_146 = arith.ori %shift_left3A_142, %shift_right_logical3A_145 : vector<2048x128xi32>
    %xor3A_147 = arith.xori %add3A_139, %or3A_146 : vector<2048x128xi32>
    %add3A_148 = arith.addi %add3A_139, %xor3A_147 : vector<2048x128xi32>
    %shift_left3A_149 = arith.constant 26 : i32
    %shift_left3A_150 = vector.broadcast %shift_left3A_149 : i32 to vector<2048x128xi32>
    %shift_left3A_151 = arith.shli %xor3A_147, %shift_left3A_150 : vector<2048x128xi32>
    %shift_right_logical3A_152 = arith.constant 6 : i32
    %shift_right_logical3A_153 = vector.broadcast %shift_right_logical3A_152 : i32 to vector<2048x128xi32>
    %shift_right_logical3A_154 = arith.shrui %xor3A_147, %shift_right_logical3A_153 : vector<2048x128xi32>
    %or3A_155 = arith.ori %shift_left3A_151, %shift_right_logical3A_154 : vector<2048x128xi32>
    %xor3A_156 = arith.xori %add3A_148, %or3A_155 : vector<2048x128xi32>
    %add3A_157 = arith.addi %add3A_148, %xor3A_156 : vector<2048x128xi32>
    %shift_left3A_158 = arith.constant 6 : i32
    %shift_left3A_159 = vector.broadcast %shift_left3A_158 : i32 to vector<2048x128xi32>
    %shift_left3A_160 = arith.shli %xor3A_156, %shift_left3A_159 : vector<2048x128xi32>
    %shift_right_logical3A_161 = arith.constant 26 : i32
    %shift_right_logical3A_162 = vector.broadcast %shift_right_logical3A_161 : i32 to vector<2048x128xi32>
    %shift_right_logical3A_163 = arith.shrui %xor3A_156, %shift_right_logical3A_162 : vector<2048x128xi32>
    %or3A_164 = arith.ori %shift_left3A_160, %shift_right_logical3A_163 : vector<2048x128xi32>
    %xor3A_165 = arith.xori %add3A_157, %or3A_164 : vector<2048x128xi32>
    %add3A_166 = arith.constant 0 : i32
    %add3A_167 = vector.broadcast %add3A_166 : i32 to vector<2048x128xi32>
    %add3A_168 = arith.addi %add3A_157, %add3A_167 : vector<2048x128xi32>
    %add3A_169 = arith.constant 42 : i32
    %add3A_170 = vector.broadcast %add3A_169 : i32 to vector<2048x128xi32>
    %add3A_171 = arith.addi %xor3A_165, %add3A_170 : vector<2048x128xi32>
    %add3A_172 = arith.constant 3 : i32
    %add3A_173 = vector.broadcast %add3A_172 : i32 to vector<2048x128xi32>
    %add3A_174 = arith.addi %add3A_171, %add3A_173 : vector<2048x128xi32>
    %add3A_175 = arith.addi %add3A_168, %add3A_174 : vector<2048x128xi32>
    %shift_left3A_176 = arith.constant 17 : i32
    %shift_left3A_177 = vector.broadcast %shift_left3A_176 : i32 to vector<2048x128xi32>
    %shift_left3A_178 = arith.shli %add3A_174, %shift_left3A_177 : vector<2048x128xi32>
    %shift_right_logical3A_179 = arith.constant 15 : i32
    %shift_right_logical3A_180 = vector.broadcast %shift_right_logical3A_179 : i32 to vector<2048x128xi32>
    %shift_right_logical3A_181 = arith.shrui %add3A_174, %shift_right_logical3A_180 : vector<2048x128xi32>
    %or3A_182 = arith.ori %shift_left3A_178, %shift_right_logical3A_181 : vector<2048x128xi32>
    %xor3A_183 = arith.xori %add3A_175, %or3A_182 : vector<2048x128xi32>
    %add3A_184 = arith.addi %add3A_175, %xor3A_183 : vector<2048x128xi32>
    %shift_left3A_185 = arith.constant 29 : i32
    %shift_left3A_186 = vector.broadcast %shift_left3A_185 : i32 to vector<2048x128xi32>
    %shift_left3A_187 = arith.shli %xor3A_183, %shift_left3A_186 : vector<2048x128xi32>
    %shift_right_logical3A_188 = arith.constant 3 : i32
    %shift_right_logical3A_189 = vector.broadcast %shift_right_logical3A_188 : i32 to vector<2048x128xi32>
    %shift_right_logical3A_190 = arith.shrui %xor3A_183, %shift_right_logical3A_189 : vector<2048x128xi32>
    %or3A_191 = arith.ori %shift_left3A_187, %shift_right_logical3A_190 : vector<2048x128xi32>
    %xor3A_192 = arith.xori %add3A_184, %or3A_191 : vector<2048x128xi32>
    %add3A_193 = arith.addi %add3A_184, %xor3A_192 : vector<2048x128xi32>
    %shift_left3A_194 = arith.constant 16 : i32
    %shift_left3A_195 = vector.broadcast %shift_left3A_194 : i32 to vector<2048x128xi32>
    %shift_left3A_196 = arith.shli %xor3A_192, %shift_left3A_195 : vector<2048x128xi32>
    %shift_right_logical3A_197 = arith.constant 16 : i32
    %shift_right_logical3A_198 = vector.broadcast %shift_right_logical3A_197 : i32 to vector<2048x128xi32>
    %shift_right_logical3A_199 = arith.shrui %xor3A_192, %shift_right_logical3A_198 : vector<2048x128xi32>
    %or3A_200 = arith.ori %shift_left3A_196, %shift_right_logical3A_199 : vector<2048x128xi32>
    %xor3A_201 = arith.xori %add3A_193, %or3A_200 : vector<2048x128xi32>
    %add3A_202 = arith.addi %add3A_193, %xor3A_201 : vector<2048x128xi32>
    %shift_left3A_203 = arith.constant 24 : i32
    %shift_left3A_204 = vector.broadcast %shift_left3A_203 : i32 to vector<2048x128xi32>
    %shift_left3A_205 = arith.shli %xor3A_201, %shift_left3A_204 : vector<2048x128xi32>
    %shift_right_logical3A_206 = arith.constant 8 : i32
    %shift_right_logical3A_207 = vector.broadcast %shift_right_logical3A_206 : i32 to vector<2048x128xi32>
    %shift_right_logical3A_208 = arith.shrui %xor3A_201, %shift_right_logical3A_207 : vector<2048x128xi32>
    %or3A_209 = arith.ori %shift_left3A_205, %shift_right_logical3A_208 : vector<2048x128xi32>
    %xor3A_210 = arith.xori %add3A_202, %or3A_209 : vector<2048x128xi32>
    %add3A_211 = arith.constant 42 : i32
    %add3A_212 = vector.broadcast %add3A_211 : i32 to vector<2048x128xi32>
    %add3A_213 = arith.addi %add3A_202, %add3A_212 : vector<2048x128xi32>
    %add3A_214 = vector.broadcast %xor3A_36 : i32 to vector<2048x128xi32>
    %add3A_215 = arith.addi %xor3A_210, %add3A_214 : vector<2048x128xi32>
    %add3A_216 = arith.constant 4 : i32
    %add3A_217 = vector.broadcast %add3A_216 : i32 to vector<2048x128xi32>
    %add3A_218 = arith.addi %add3A_215, %add3A_217 : vector<2048x128xi32>
    %add3A_219 = arith.addi %add3A_213, %add3A_218 : vector<2048x128xi32>
    %shift_left3A_220 = arith.constant 13 : i32
    %shift_left3A_221 = vector.broadcast %shift_left3A_220 : i32 to vector<2048x128xi32>
    %shift_left3A_222 = arith.shli %add3A_218, %shift_left3A_221 : vector<2048x128xi32>
    %shift_right_logical3A_223 = arith.constant 19 : i32
    %shift_right_logical3A_224 = vector.broadcast %shift_right_logical3A_223 : i32 to vector<2048x128xi32>
    %shift_right_logical3A_225 = arith.shrui %add3A_218, %shift_right_logical3A_224 : vector<2048x128xi32>
    %or3A_226 = arith.ori %shift_left3A_222, %shift_right_logical3A_225 : vector<2048x128xi32>
    %xor3A_227 = arith.xori %add3A_219, %or3A_226 : vector<2048x128xi32>
    %add3A_228 = arith.addi %add3A_219, %xor3A_227 : vector<2048x128xi32>
    %shift_left3A_229 = arith.constant 15 : i32
    %shift_left3A_230 = vector.broadcast %shift_left3A_229 : i32 to vector<2048x128xi32>
    %shift_left3A_231 = arith.shli %xor3A_227, %shift_left3A_230 : vector<2048x128xi32>
    %shift_right_logical3A_232 = arith.constant 17 : i32
    %shift_right_logical3A_233 = vector.broadcast %shift_right_logical3A_232 : i32 to vector<2048x128xi32>
    %shift_right_logical3A_234 = arith.shrui %xor3A_227, %shift_right_logical3A_233 : vector<2048x128xi32>
    %or3A_235 = arith.ori %shift_left3A_231, %shift_right_logical3A_234 : vector<2048x128xi32>
    %xor3A_236 = arith.xori %add3A_228, %or3A_235 : vector<2048x128xi32>
    %add3A_237 = arith.addi %add3A_228, %xor3A_236 : vector<2048x128xi32>
    %shift_left3A_238 = arith.constant 26 : i32
    %shift_left3A_239 = vector.broadcast %shift_left3A_238 : i32 to vector<2048x128xi32>
    %shift_left3A_240 = arith.shli %xor3A_236, %shift_left3A_239 : vector<2048x128xi32>
    %shift_right_logical3A_241 = arith.constant 6 : i32
    %shift_right_logical3A_242 = vector.broadcast %shift_right_logical3A_241 : i32 to vector<2048x128xi32>
    %shift_right_logical3A_243 = arith.shrui %xor3A_236, %shift_right_logical3A_242 : vector<2048x128xi32>
    %or3A_244 = arith.ori %shift_left3A_240, %shift_right_logical3A_243 : vector<2048x128xi32>
    %xor3A_245 = arith.xori %add3A_237, %or3A_244 : vector<2048x128xi32>
    %add3A_246 = arith.addi %add3A_237, %xor3A_245 : vector<2048x128xi32>
    %shift_left3A_247 = arith.constant 6 : i32
    %shift_left3A_248 = vector.broadcast %shift_left3A_247 : i32 to vector<2048x128xi32>
    %shift_left3A_249 = arith.shli %xor3A_245, %shift_left3A_248 : vector<2048x128xi32>
    %shift_right_logical3A_250 = arith.constant 26 : i32
    %shift_right_logical3A_251 = vector.broadcast %shift_right_logical3A_250 : i32 to vector<2048x128xi32>
    %shift_right_logical3A_252 = arith.shrui %xor3A_245, %shift_right_logical3A_251 : vector<2048x128xi32>
    %or3A_253 = arith.ori %shift_left3A_249, %shift_right_logical3A_252 : vector<2048x128xi32>
    %xor3A_254 = arith.xori %add3A_246, %or3A_253 : vector<2048x128xi32>
    %add3A_255 = vector.broadcast %xor3A_36 : i32 to vector<2048x128xi32>
    %add3A_256 = arith.addi %add3A_246, %add3A_255 : vector<2048x128xi32>
    %add3A_257 = arith.constant 0 : i32
    %add3A_258 = vector.broadcast %add3A_257 : i32 to vector<2048x128xi32>
    %add3A_259 = arith.addi %xor3A_254, %add3A_258 : vector<2048x128xi32>
    %add3A_260 = arith.constant 5 : i32
    %add3A_261 = vector.broadcast %add3A_260 : i32 to vector<2048x128xi32>
    %add3A_262 = arith.addi %add3A_259, %add3A_261 : vector<2048x128xi32>
    %xor3A_263 = arith.xori %add3A_256, %add3A_262 : vector<2048x128xi32>
    %shift_right_logical3A_264 = arith.constant 9 : i32
    %shift_right_logical3A_265 = vector.broadcast %shift_right_logical3A_264 : i32 to vector<2048x128xi32>
    %shift_right_logical3A_266 = arith.shrui %xor3A_263, %shift_right_logical3A_265 : vector<2048x128xi32>
    %or3A_267 = arith.constant 1065353216 : i32
    %or3A_268 = vector.broadcast %or3A_267 : i32 to vector<2048x128xi32>
    %or3A_269 = arith.ori %shift_right_logical3A_266, %or3A_268 : vector<2048x128xi32>
    %bitcast_convert_type3A = tpu.bitcast %or3A_269 : vector<2048x128xi32> -> vector<2048x128xf32>
    %sub3A_270 = arith.constant 1.000000e+00 : f32
    %sub3A_271 = vector.broadcast %sub3A_270 : f32 to vector<2048x128xf32>
    %sub3A_272 = arith.subf %bitcast_convert_type3A, %sub3A_271 : vector<2048x128xf32>
    %lt3A = arith.cmpf olt, %sub3A_272, %min3A_28 : vector<2048x128xf32>
    %convert_element_type3A = arith.extui %lt3A : vector<2048x128xi1> to vector<2048x128xi32>
    %convert_element_type3A_273 = arith.sitofp %convert_element_type3A : vector<2048x128xi32> to vector<2048x128xf32>
    %get3A_274 = arith.constant 0 : index
    %get3A_275 = arith.constant 0 : index
    %get3A_276 = vector.load %arg2[%get3A_274, %get3A_275] : memref<2048x128xf32, #tpu.memory_space<vmem>>, vector<2048x128xf32>
    %max3A_277 = arith.constant 9.99999996E-13 : f32
    %max3A_278 = vector.broadcast %max3A_277 : f32 to vector<2048x128xf32>
    %max3A_279 = arith.maximumf %min3A_28, %max3A_278 : vector<2048x128xf32>
    %log3A = math.log %max3A_279 : vector<2048x128xf32>
    %add3A_280 = arith.addf %get3A_276, %log3A : vector<2048x128xf32>
    %swap3A = arith.constant 0 : index
    %swap3A_281 = arith.constant 0 : index
    %swap3A_282 = vector.load %arg3[%swap3A, %swap3A_281] : memref<2048x128xf32, #tpu.memory_space<vmem>>, vector<2048x128xf32>
    tpu.vector_store %arg3[%swap3A, %swap3A_281], %add3A_280 {strides = array<i32>} : memref<2048x128xf32, #tpu.memory_space<vmem>>, vector<2048x128xf32>,
    %sub3A_283 = arith.constant 1.000000e+00 : f32
    %sub3A_284 = vector.broadcast %sub3A_283 : f32 to vector<2048x128xf32>
    %sub3A_285 = arith.subf %sub3A_284, %min3A_28 : vector<2048x128xf32>
    %max3A_286 = arith.constant 9.99999996E-13 : f32
    %max3A_287 = vector.broadcast %max3A_286 : f32 to vector<2048x128xf32>
    %max3A_288 = arith.maximumf %sub3A_285, %max3A_287 : vector<2048x128xf32>
    %log3A_289 = math.log %max3A_288 : vector<2048x128xf32>
    %add3A_290 = arith.addf %get3A_276, %log3A_289 : vector<2048x128xf32>
    %swap3A_291 = arith.constant 0 : index
    %swap3A_292 = arith.constant 0 : index
    %swap3A_293 = vector.load %arg4[%swap3A_291, %swap3A_292] : memref<2048x128xf32, #tpu.memory_space<vmem>>, vector<2048x128xf32>
    tpu.vector_store %arg4[%swap3A_291, %swap3A_292], %add3A_290 {strides = array<i32>} : memref<2048x128xf32, #tpu.memory_space<vmem>>, vector<2048x128xf32>,
    %swap3A_294 = arith.constant 0 : index
    %swap3A_295 = arith.constant 0 : index
    %swap3A_296 = vector.load %arg5[%swap3A_294, %swap3A_295] : memref<2048x128xf32, #tpu.memory_space<vmem>>, vector<2048x128xf32>
    tpu.vector_store %arg5[%swap3A_294, %swap3A_295], %convert_element_type3A_273 {strides = array<i32>} : memref<2048x128xf32, #tpu.memory_space<vmem>>, vector<2048x128xf32>,
    %sub3A_297 = arith.constant 1.000000e+00 : f32
    %sub3A_298 = vector.broadcast %sub3A_297 : f32 to vector<2048x128xf32>
    %sub3A_299 = arith.subf %sub3A_298, %convert_element_type3A_273 : vector<2048x128xf32>
    %swap3A_300 = arith.constant 0 : index
    %swap3A_301 = arith.constant 0 : index
    %swap3A_302 = vector.load %arg6[%swap3A_300, %swap3A_301] : memref<2048x128xf32, #tpu.memory_space<vmem>>, vector<2048x128xf32>
    tpu.vector_store %arg6[%swap3A_300, %swap3A_301], %sub3A_299 {strides = array<i32>} : memref<2048x128xf32, #tpu.memory_space<vmem>>, vector<2048x128xf32>,
    return
  }
}

</mosaic_0001>

<sc_bundles>
// kernel: sparse-core-data-format-call.1.cloned.1.call-start
scs
called_computation.1_lowered:
.L_overlay_start_0:
0x0: {  	s2 =	sld [smem:$0x3FD9]  }
0x1: {  	s3 =	sld [smem:$0x3FFE];
	_ =	sdelay $0x1  }
0x2: {  	s1 =	srdreg.scid  }
0x3: {  	s0 =	sand.u32 $0x1, s1  }
0x4: {  	s15 =	sshll.u32 s0, $0xA;
	s2 =	sadd.s32 s3, s2  }
0x5: {  	s2 =	sadd.s32 s2, s15  }
0x6: {  	[smem:$0x3FC5] =	sst s2  }
0x7: {  	_ = 	snop  }
0x8: {  	s2 =	sld [smem:$0x3FD0];
	_ =	sdelay $0x2  }
0x9: {  	s16 =	simm.s32 $0xD;
	s4 =	simm.s32 $0x10  }
0xa: {  	[smem:s4], [sflag:s16] =	dma.local [hbm:s2], $0x1  }
0xb: {  	_ =	swait.eq [sflag:s16], $0x1  }
0xc: {  	[sflag:s16] =	ssyncset.done $0x0  }
0xd: {  	[sflag:s16] =	ssyncadd.s32 $0xFFFFFFFF  }
0xe: {  	s17 =	sld [smem:$0x13];
	(tm) =	ssettm $0x1  }
0xf: {  	s18 =	sld [smem:$0x3FFB];
	_ =	sdelay $0x3  }
0x10: {  	_ =	strace s18  }
0x11: {  	s3 =	sld [smem:$0x3FFC];
	_ =	sdelay $0x3  }
0x12: {  	_ =	strace s3  }
0x13: {  	s3 =	sld [smem:$0x3FFD];
	_ =	sdelay $0x3  }
0x14: {  	_ =	strace s3  }
0x15: {  	_ =	strace $0x8FFFFFFF  }
0x16: {  	s19 =	sld [smem:$0x3FDB];
	_ =	sdelay $0x1  }
0x17: {  	s20 =	simm.s32 $_scs_section_size  }
0x18: {  	s5 =	simm.s32 $_size__tile_overlayer_lowered;
	s6 =	simm.s32 $_tile_overlayer_lowered  }
0x19: {  	s23 =	simm.s32 $0x1BFF;
	s22 =	sshll.u32 s6, $0x1;
	s3 =	sadd.s32 s20, s19  }
0x1a: {  	s7 =	simm.s32 $0x0;
	s21 =	sshll.u32 s5, $0x1;
	s5 =	sadd.s32 s22, s3  }
0x1b: {  	[timem:s7], [sflag:s23] =	dma.local [hbm:s5], s21  }
0x1c: {  	_ =	swait.ge [sflag:s23], s21  }
0x1d: {  	s4 =	ssub.s32 $0x0, s21;
	[sflag:s23] =	ssyncset.done $0x0  }
0x1e: {  	[sflag:s23] =	ssyncadd.s32 s4;
	_ =	sdelay $0x1  }
0x1f: {  	s24 =	simm.s32 $0x1B8B  }
0x20: {  	_ =	swait.ge [sflag:s24], $0x1  }
0x21: {  	[sflag:s24] =	ssyncset.done $0x0  }
0x22: {  	s26 =	simm.s32 $0x1B8E;
	s25 =	sld [smem:$0x3FFE];
	[sflag:s24] =	ssyncadd.s32 $0xFFFFFFFF  }
0x23: {  	s27 =	simm.s32 $execute0_lowered;
	[smem:$0x3FD2] =	sst s26  }
0x24: {  	s5 =	sshll.u32 s27, $0x1;
	_ =	strace $0x80000046;
	[dreg:$0x1] =	wrdreg $0xFFFFFFFF  }
0x25: {  	s28 =	simm.s32 $_size_execute0_lowered;
	s3 =	sadd.s32 s3, s5;
	[dreg:$0x0] =	wrdreg $0x0  }
0x26: {  	s5 =	sshll.u32 s28, $0x1;
	[dreg:$0x2] =	wrdreg s3  }
0x27: {  	[dreg:$0x3] =	wrdreg s5  }
0x28: {  	[dreg:$0x4] =	wrdreg $0xC0  }
0x29: {  	_ =	task [dreg:s7], $0x5FFFF  }
0x2a: {  	[dreg:$0x1] =	wrdreg $0xFFFFFFFF  }
0x2b: {  	[dreg:$0x0] =	wrdreg $0x60  }
0x2c: {  	[dreg:$0x2] =	wrdreg s25  }
0x2d: {  	[dreg:$0x3] =	wrdreg s17  }
0x2e: {  	[dreg:$0x4] =	wrdreg $0xA  }
0x2f: {  	_ =	task.clear_ibuf [dreg:s7], $0x5FFFF;
	_ =	strace $0x90000046  }
0x30: {  	s29 =	simm.s32 $0xA;
	_ =	strace $0x80000048  }
0x31: {  	_ =	swait.ge [sflag:s29], $0x1  }
0x32: {  	[sflag:s29] =	ssyncadd.s32 $0xFFFFFFFF  }
0x33: {  	_ =	strace $0x90000048  }
0x34: {  	_ =	sfence  }
0x35: {  	s30 =	sld [smem:$0x0];
	_ =	sdelay $0x2  }
0x36: {  	s31 =	sshll.u32 s1, $0xD;
	s1 =	sshrl.u32 s1, $0x2  }
0x37: {  	s3 =	sand.u32 $0x4000, s31;
	s1 =	sadd.s32 s1, s30  }
0x38: {  	s0 =	sor.u32 s3, s0;
	s1 =	sshll.u32 s1, $0x11  }
0x39: {  	s0 =	sor.u32 s1, s0  }
0x3a: {  	s0 =	sadd.s32 $0x8F2B, s0  }
0x3b: {  	[sflag:s0] =	ssyncadd.remote.s32 $0x1  }
0x3c: {  	_ =	sfence.sel $0xFFFF  }
0x3d: {  	[dreg:$0x0] =	wrdreg $0xFFFFFFFF;
	(pc) =	sbr.abs _section_cstart, $3  }
0x3e: {  	[dreg:$0x1] =	wrdreg $0xFFFFFFFF  }
0x3f: {  	_ =	task.clear_ibuf [dreg:s7], $0x2FFFF;
	_ =	strace $0x9FFFFFFF  }
0x40: {  	(tm) =	ssettm $0x7FFFFFFF  }
0x41: {  	_ =	shalt  }
tec
execute0_lowered:
.L_overlay_start_1:
0x0: {  	(tag) =	ssettag $0x1  }
0x1: {  	s0 =	srdreg.scid  }
0x2: {  	s1 =	sshll.u32 s0, $0x4  }
0x3: {  	s4 =	rddreg [dreg:$0x0];
	s0 =	stileid.u32;
	s1 =	sand.u32 $0x10, s1  }
0x4: {  	s2 =	rddreg [dreg:$0x1];
	s7 =	simm.s32 $0x1;
	s1 =	sor.u32 s0, s1  }
0x5: {  	s8 =	simm.s32 $0x2;
	s11 =	simm.s32 $0x0;
	s3 =	sshll.u32 s1, $0x7  }
0x6: {  	s10 =	simm.s32 $0x0;
	s4 =	sadd.s32 $0x401600, s4;
	s6 =	ssub.s32 $0x40000, s3  }
.Ltmp0:
0x7: {  	s1 =	rddreg [dreg:$0x2];
	s5 =	sand.u32 $0xF80, s6;
	(pc) =	sbr.rel .LBB1_1-.Ltmp0, $4  }
0x8: {  	_ =	strace $0x80000047;
	s9 =	smov.u32 s3;
	p0 =	sne.s32 s5, $0x0  }
0x9: {  	s6 =	sshrl.u32 s6, $0xC;
	s5 =	simm.s32 $0x1;
	s7 =	simm.s32 @!p0 $0x0  }
0xa: {  	[sflag:s5] =	ssyncpa.u1 $0x0;
	p0 =	por $0x0, $0x0;
	s6 =	sadd.s32 s7, s6  }
0xb: {  	[sflag:s8] =	ssyncpa.u1 $0x0;
	s8 =	simm.s32 $0x200000;
	s7 =	sadd.s32 $0x1, s6  }
.LBB1_4:
0xc: {  	s14 =	sshll.u32 s11, $0x3  }
0xd: {  	s15 =	sand.u32 $0x78, s11;
	s14 =	sand.u32 $0x3FC00, s14  }
0xe: {  	[tilespmem:s13+$0x810 ss:$0x81] =	vst.msk $0xffff, v2;
	s29 =	sand.u32 $0x1F8000, s11;
	s30 =	sand.u32 $0x7, s11;
	s14 =	sor.u32 s15, s14  }
0xf: {  	[tilespmem:s13+$0x1020 ss:$0x81] =	vst.msk $0xffff, v0;
	s11 =	sshll.u32 s30, $0x12;
	s15 =	sadd.s32 s2, s29;
	s14 =	sshrl.u32 s14, $0x3  }
0x10: {  	[tilespmem:s13+$0x0 ss:$0x81] =	vst.msk $0xffff, v1;
	s11 =	sor.u32 $0x400, s11;
	s31 =	sadd.s32 s14, s15  }
0x11: {  	[hbm4b:s31+s11] =	stream.strided.scatter [tilespmem:s12], [sflag:$0x2], $0x2000, s8, s11, $0x20;
	[tilespmem:$0x8080] =	vst v63  }
.LBB1_5:
0x12: {  	s13 =	sadd.s32 $0x1000, s9  }
0x13: {  	p2 =	sgt.s32 s13, $0x3FFFF  }
0x14: {  	s13 =	smov.u32 @p2 s3;
	p2 =	sne.s32 s10, s7  }
.Ltmp1:
0x15: {  	p1 =	slt.u32 s10, $0x2;
	(pc) =	sbr.rel @!p2 .LBB1_6-.Ltmp1, $4  }
0x16: {  	s12 =	simm.s32 @!p1 $0x2  }
0x17: {  	s14 =	sadd.s32 $0x1, s10;
	_ =	swait.ge @!p1 [sflag:s12], $0x2000  }
0x18: {  	s11 =	smov.u32 s9;
	p0 =	por !p0, !p0;
	[sflag:s12] =	ssyncset.done @!p1 $0x0  }
0x19: {  	s10 =	smov.u32 s14;
	s9 =	smov.u32 s13;
	[sflag:s12] =	ssyncadd.s32 @!p1 $0xFFFFE000  }
.LBB1_1:
0x1a: {  	p1 =	sge.u32 s10, s6  }
0x1b: {  	s31 =	sadd.s32 $0xFFFFFFFF, s10;
	s12 =	sxor.u32 @!p1 $0xFFFFFFFF, s10;
	s13 =	sshll.u32 @!p1 s9, $0x4  }
0x1c: {  	s14 =	simm.s32 @!p1 $0x40;
	s12 =	sshll.u32 @!p1 s12, $0xD;
	s13 =	sand.u32 @!p1 $0x3FFFF0, s13  }
0x1d: {  	s15 =	simm.s32 @!p1 $0x80;
	s12 =	sand.u32 @!p1 $0x2000, s12;
	s13 =	sadd.s32 @!p1 s4, s13  }
0x1e: {  	[tilespmem:s12], [sflag:$0x1] =	stream.strided.gather @!p1 [hbm4b:s13+s14], $0x2000, s15, s14, $0x38;
	[tilespmem:$0x8080] =	vst v63  }
0x1f: {  	p1 =	sge.u32 s31, s6  }
.Ltmp2:
0x20: {  	_ = 	snop;
	(pc) =	sbr.rel @p1 .LBB1_5-.Ltmp2, $1  }
0x21: {  	_ =	sdelay $0x3  }
0x22: {  	s12 =	simm.s32 $0x1  }
0x23: {  	_ =	swait.ge [sflag:s5], $0x2000;
	s12 =	simm.s32 @!p0 $0x0  }
0x24: {  	[sflag:s5] =	ssyncset.done $0x0;
	s13 =	sshll.u32 s12, $0xD  }
0x25: {  	[sflag:s5] =	ssyncadd.s32 $0xFFFFE000;
	s16 =	sor.u32 $0x20, s13  }
0x26: {  	s12 =	smul.u32 $0x8100, s12;
	v3 =	vld [tilespmem:s16+$0x10]  }
0x27: {  	s30 =	sand.u32 $0x1, s10;
	v2 =	vld [tilespmem:s16+$0xFFFFFFF0]  }
0x28: {  	s13 =	smul.u32 $0x8100, s30;
	s12 =	sshrl.u32 s12, $0x2;
	v0 =	vld [tilespmem:s16+$0x0]  }
0x29: {  	v1 =	vld [tilespmem:s16+$0xFFFFFFE0];
	s14 =	sor.u32 $0x4000, s12  }
0x2a: {  	s31 =	sshrl.u32 s13, $0x2;
	s13 =	sadd.s32 $0x0, s14  }
0x2b: {  	s15 =	simm.s32 $0x4;
	s16 =	sadd.s32 $0x40, s16;
	s12 =	sor.u32 $0x4000, s31;
	[tilespmem:s13+$0x1830 ss:$0x81] =	vst.msk $0xffff, v3  }
.LBB1_3:
0x2c: {  	v3 =	vld [tilespmem:s16+$0x10];
	p1 =	sne.s32 s15, $0x1FC;
	[tilespmem:s13+$0x810 ss:$0x81] =	vst.msk $0xffff, v2;
	s17 =	smov.u32 s15;
	s15 =	sadd.s32 $0x4, s15  }
.Ltmp3:
0x2d: {  	v2 =	vld [tilespmem:s16+$0xFFFFFFF0];
	[tilespmem:s13+$0x1020 ss:$0x81] =	vst.msk $0xffff, v0;
	(pc) =	sbr.rel @p1 .LBB1_3-.Ltmp3, $4  }
0x2e: {  	v0 =	vld [tilespmem:s16+$0x0];
	[tilespmem:s13+$0x0 ss:$0x81] =	vst.msk $0xffff, v1  }
0x2f: {  	s13 =	sshra.s32 s17, $0x2;
	v1 =	vld [tilespmem:s16+$0xFFFFFFE0]  }
0x30: {  	s13 =	sadd.s32 s13, s14  }
0x31: {  	s16 =	sadd.s32 $0x40, s16;
	[tilespmem:s13+$0x1830 ss:$0x81] =	vst.msk $0xffff, v3  }
.Ltmp4:
0x32: {  	_ = 	snop;
	(pc) =	sbr.rel .LBB1_4-.Ltmp4, $1  }
0x33: {  	_ =	sdelay $0x3  }
.LBB1_6:
0x34: {  	_ =	sfence.sel $0x180000  }
0x35: {  	s2 =	simm.s32 $0x1;
	[bflag:$0x0] =	sbarrier.arrive $0xFFFF  }
0x36: {  	s31 =	simm.s32 $0x2;
	[sflag:s2] =	ssyncpa.u1 $0x1  }
0x37: {  	[sflag:s31] =	ssyncpa.u1 $0x1  }
0x38: {  	p0 =	sne.s32 s0, $0x0;
	_ =	strace $0x90000047  }
0x39: {  	s0 =	sadd.s32 @!p0 $0x100000, s1;
	[bflag:$0x2] =	sbarrier.arrive $0xFFFF  }
0x3a: {  	[sflag:s0] =	ssyncadd.tile.s32 @!p0 $0x1;
	_ =	shalt  }
.Lfunc_end1:
_tile_overlayer_lowered:
.L_overlay_start_2:
0x3b: {  	(tag) =	ssettag $0x2  }
0x3c: {  	s0 =	rddreg [dreg:$0x0];
	s2 =	stileid.u32  }
0x3d: {  	s1 =	rddreg [dreg:$0x1];
	p0 =	sne.s32 s2, $0x0  }
0x3e: {  	s3 =	rddreg [dreg:$0x2];
	[bflag:$0x3] =	sbarrier.arrive $0xFFFF;
	s2 =	simm.s32 @!p0 $0x1C01  }
0x3f: {  	[timem:s3], [sflag:s2] =	dma.local @!p0 [hbm:s0], s1  }
0x40: {  	s0 =	simm.s32 @!p0 $0x1  }
0x41: {  	_ =	swait.ge @!p0 [sflag:s0], s1  }
0x42: {  	s1 =	ssub.s32 @!p0 $0x0, s1;
	[sflag:s0] =	ssyncset.done @!p0 $0x0  }
0x43: {  	[sflag:s0] =	ssyncadd.s32 @!p0 s1  }
0x44: {  	[bflag:$0x3] =	sbarrier.arrive $0xFFFF  }
0x45: {  	_ =	shalt  }

// kernel: sparse-core-data-format-call.2.cloned.1.call-start
scs
called_computation.2_lowered:
.L_overlay_start_0:
0x0: {  	s2 =	sld [smem:$0x3FD9]  }
0x1: {  	s3 =	sld [smem:$0x3FFE];
	_ =	sdelay $0x1  }
0x2: {  	s1 =	srdreg.scid  }
0x3: {  	s0 =	sand.u32 $0x1, s1  }
0x4: {  	s16 =	sshll.u32 s0, $0xA;
	s2 =	sadd.s32 s3, s2  }
0x5: {  	s2 =	sadd.s32 s2, s16  }
0x6: {  	[smem:$0x3FC5] =	sst s2  }
0x7: {  	_ = 	snop  }
0x8: {  	s2 =	sld [smem:$0x3FD0];
	_ =	sdelay $0x2  }
0x9: {  	s17 =	simm.s32 $0xD;
	s4 =	simm.s32 $0x10  }
0xa: {  	[smem:s4], [sflag:s17] =	dma.local [hbm:s2], $0x1  }
0xb: {  	_ =	swait.eq [sflag:s17], $0x1  }
0xc: {  	[sflag:s17] =	ssyncset.done $0x0  }
0xd: {  	[sflag:s17] =	ssyncadd.s32 $0xFFFFFFFF  }
0xe: {  	s18 =	sld [smem:$0x11];
	(tm) =	ssettm $0x1  }
0xf: {  	s19 =	sld [smem:$0x3FFB];
	_ =	sdelay $0x3  }
0x10: {  	_ =	strace s19  }
0x11: {  	s2 =	sld [smem:$0x3FFC];
	_ =	sdelay $0x3  }
0x12: {  	_ =	strace s2  }
0x13: {  	s2 =	sld [smem:$0x3FFD];
	_ =	sdelay $0x3  }
0x14: {  	_ =	strace s2  }
0x15: {  	_ =	strace $0x8FFFFFFF  }
0x16: {  	s20 =	sld [smem:$0x3FDB];
	_ =	sdelay $0x1  }
0x17: {  	s21 =	simm.s32 $_scs_section_size  }
0x18: {  	s5 =	simm.s32 $_size__tile_overlayer_lowered;
	s6 =	simm.s32 $_tile_overlayer_lowered  }
0x19: {  	s7 =	simm.s32 $0x1BFF;
	s22 =	sshll.u32 s6, $0x1;
	s4 =	sadd.s32 s21, s20  }
0x1a: {  	s23 =	simm.s32 $0x0;
	s5 =	sshll.u32 s5, $0x1;
	s6 =	sadd.s32 s22, s4  }
0x1b: {  	[timem:s23], [sflag:s7] =	dma.local [hbm:s6], s5  }
0x1c: {  	_ =	swait.ge [sflag:s7], s5  }
0x1d: {  	s5 =	ssub.s32 $0x0, s5;
	[sflag:s7] =	ssyncset.done $0x0  }
0x1e: {  	[sflag:s7] =	ssyncadd.s32 s5;
	_ =	sdelay $0x1  }
0x1f: {  	s24 =	simm.s32 $0x1B8B  }
0x20: {  	_ =	swait.ge [sflag:s24], $0x1  }
0x21: {  	[sflag:s24] =	ssyncset.done $0x0  }
0x22: {  	[sflag:s24] =	ssyncadd.s32 $0xFFFFFFFF  }
0x23: {  	s5 =	sld [smem:$0x0]  }
0x24: {  	s6 =	sand.u32 $0xFFFFFFFE, s1  }
0x25: {  	p0 =	sne.s32 s1, s6  }
0x26: {  	s6 =	sshll.u32 @p0 s6, $0xE  }
0x27: {  	s6 =	sadd.s32 @p0 $0x11B8D, s6;
	s7 =	sshll.u32 @p0 s5, $0x11  }
0x28: {  	s6 =	sor.u32 @p0 s7, s6  }
0x29: {  	[sflag:s6] =	ssyncadd.remote.s32 @p0 $0x1;
	_ =	sdelay $0x1  }
0x2a: {  	s6 =	simm.s32 @p0 $0x1B8D  }
0x2b: {  	_ =	swait.eq @p0 [sflag:s6], $0x1  }
0x2c: {  	[sflag:s6] =	ssyncadd.s32 @p0 $0xFFFFFFFF  }
0x2d: {  	s7 =	sshll.u32 @!p0 s1, $0xE  }
0x2e: {  	s7 =	sor.u32 @!p0 $0x4000, s7;
	s6 =	simm.s32 @!p0 $0x1B8D  }
0x2f: {  	s5 =	sshll.u32 @!p0 s5, $0x11;
	s7 =	sadd.s32 @!p0 $0x11B8D, s7;
	_ =	swait.eq @!p0 [sflag:s6], $0x1  }
0x30: {  	s5 =	sor.u32 @!p0 s5, s7;
	[sflag:s6] =	ssyncadd.s32 @!p0 $0xFFFFFFFF  }
0x31: {  	s26 =	simm.s32 $0x1B8E;
	s25 =	sld [smem:$0x3FFE];
	[sflag:s5] =	ssyncadd.remote.s32 @!p0 $0x1  }
0x32: {  	s27 =	simm.s32 $execute0_lowered;
	[smem:$0x3FD2] =	sst s26  }
0x33: {  	s6 =	sshll.u32 s27, $0x1;
	_ =	strace $0x80000049;
	[dreg:$0x1] =	wrdreg $0xFFFFFFFF  }
0x34: {  	s28 =	simm.s32 $_size_execute0_lowered;
	s4 =	sadd.s32 s4, s6;
	[dreg:$0x0] =	wrdreg $0x0  }
0x35: {  	s6 =	sshll.u32 s28, $0x1;
	[dreg:$0x2] =	wrdreg s4  }
0x36: {  	[dreg:$0x3] =	wrdreg s6  }
0x37: {  	[dreg:$0x4] =	wrdreg $0xC0  }
0x38: {  	_ =	task [dreg:s23], $0x5FFFF  }
0x39: {  	[dreg:$0x1] =	wrdreg $0xFFFFFFFF  }
0x3a: {  	[dreg:$0x0] =	wrdreg $0x60  }
0x3b: {  	[dreg:$0x2] =	wrdreg s25  }
0x3c: {  	[dreg:$0x3] =	wrdreg s18  }
0x3d: {  	[dreg:$0x4] =	wrdreg $0xB  }
0x3e: {  	_ =	task.clear_ibuf [dreg:s23], $0x5FFFF;
	_ =	strace $0x90000049  }
0x3f: {  	s29 =	simm.s32 $0xB;
	_ =	strace $0x8000004B  }
0x40: {  	_ =	swait.ge [sflag:s29], $0x1  }
0x41: {  	[sflag:s29] =	ssyncadd.s32 $0xFFFFFFFF  }
0x42: {  	_ =	strace $0x9000004B  }
0x43: {  	_ =	sfence  }
0x44: {  	s30 =	sld [smem:$0x0];
	_ =	sdelay $0x2  }
0x45: {  	s31 =	sshll.u32 s1, $0xD;
	s1 =	sshrl.u32 s1, $0x2  }
0x46: {  	s4 =	sand.u32 $0x4000, s31;
	s1 =	sadd.s32 s1, s30  }
0x47: {  	s0 =	sor.u32 s4, s0;
	s1 =	sshll.u32 s1, $0x11  }
0x48: {  	s0 =	sor.u32 s1, s0  }
0x49: {  	s0 =	sadd.s32 $0x8F2B, s0  }
0x4a: {  	[sflag:s0] =	ssyncadd.remote.s32 $0x1  }
0x4b: {  	_ =	sfence.sel $0xFFFF  }
0x4c: {  	[dreg:$0x0] =	wrdreg $0xFFFFFFFF;
	(pc) =	sbr.abs _section_cstart, $3  }
0x4d: {  	[dreg:$0x1] =	wrdreg $0xFFFFFFFF  }
0x4e: {  	_ =	task.clear_ibuf [dreg:s23], $0x2FFFF;
	_ =	strace $0x9FFFFFFF  }
0x4f: {  	(tm) =	ssettm $0x7FFFFFFF  }
tec
execute0_lowered:
.L_overlay_start_1:
0x0: {  	(tag) =	ssettag $0x1  }
0x1: {  	s0 =	srdreg.scid  }
0x2: {  	s1 =	sshll.u32 s0, $0x4  }
0x3: {  	s4 =	rddreg [dreg:$0x0];
	s0 =	stileid.u32;
	s1 =	sand.u32 $0x10, s1  }
0x4: {  	s2 =	rddreg [dreg:$0x1];
	s7 =	simm.s32 $0x1;
	s1 =	sor.u32 s0, s1  }
0x5: {  	s8 =	simm.s32 $0x2;
	s11 =	simm.s32 $0x0;
	s3 =	sshll.u32 s1, $0x7  }
0x6: {  	s10 =	simm.s32 $0x0;
	s4 =	sadd.s32 $0x801600, s4;
	s6 =	ssub.s32 $0x40000, s3  }
.Ltmp0:
0x7: {  	s1 =	rddreg [dreg:$0x2];
	s5 =	sand.u32 $0xF80, s6;
	(pc) =	sbr.rel .LBB1_1-.Ltmp0, $4  }
0x8: {  	_ =	strace $0x8000004A;
	s9 =	smov.u32 s3;
	p0 =	sne.s32 s5, $0x0  }
0x9: {  	s6 =	sshrl.u32 s6, $0xC;
	s5 =	simm.s32 $0x1;
	s7 =	simm.s32 @!p0 $0x0  }
0xa: {  	[sflag:s5] =	ssyncpa.u1 $0x0;
	p0 =	por $0x0, $0x0;
	s6 =	sadd.s32 s7, s6  }
0xb: {  	[sflag:s8] =	ssyncpa.u1 $0x0;
	s8 =	simm.s32 $0x200000;
	s7 =	sadd.s32 $0x1, s6  }
.LBB1_4:
0xc: {  	s14 =	sshll.u32 s11, $0x3  }
0xd: {  	s15 =	sand.u32 $0x78, s11;
	s14 =	sand.u32 $0x3FC00, s14  }
0xe: {  	[tilespmem:s13+$0x810 ss:$0x81] =	vst.msk $0xffff, v2;
	s29 =	sand.u32 $0x1F8000, s11;
	s30 =	sand.u32 $0x7, s11;
	s14 =	sor.u32 s15, s14  }
0xf: {  	[tilespmem:s13+$0x1020 ss:$0x81] =	vst.msk $0xffff, v0;
	s11 =	sshll.u32 s30, $0x12;
	s15 =	sadd.s32 s2, s29;
	s14 =	sshrl.u32 s14, $0x3  }
0x10: {  	[tilespmem:s13+$0x0 ss:$0x81] =	vst.msk $0xffff, v1;
	s11 =	sor.u32 $0x400, s11;
	s31 =	sadd.s32 s14, s15  }
0x11: {  	[hbm4b:s31+s11] =	stream.strided.scatter [tilespmem:s12], [sflag:$0x2], $0x2000, s8, s11, $0x20;
	[tilespmem:$0x8080] =	vst v63  }
.LBB1_5:
0x12: {  	s13 =	sadd.s32 $0x1000, s9  }
0x13: {  	p2 =	sgt.s32 s13, $0x3FFFF  }
0x14: {  	s13 =	smov.u32 @p2 s3;
	p2 =	sne.s32 s10, s7  }
.Ltmp1:
0x15: {  	p1 =	slt.u32 s10, $0x2;
	(pc) =	sbr.rel @!p2 .LBB1_6-.Ltmp1, $4  }
0x16: {  	s12 =	simm.s32 @!p1 $0x2  }
0x17: {  	s14 =	sadd.s32 $0x1, s10;
	_ =	swait.ge @!p1 [sflag:s12], $0x2000  }
0x18: {  	s11 =	smov.u32 s9;
	p0 =	por !p0, !p0;
	[sflag:s12] =	ssyncset.done @!p1 $0x0  }
0x19: {  	s10 =	smov.u32 s14;
	s9 =	smov.u32 s13;
	[sflag:s12] =	ssyncadd.s32 @!p1 $0xFFFFE000  }
.LBB1_1:
0x1a: {  	p1 =	sge.u32 s10, s6  }
0x1b: {  	s31 =	sadd.s32 $0xFFFFFFFF, s10;
	s12 =	sxor.u32 @!p1 $0xFFFFFFFF, s10;
	s13 =	sshll.u32 @!p1 s9, $0x4  }
0x1c: {  	s14 =	simm.s32 @!p1 $0x40;
	s12 =	sshll.u32 @!p1 s12, $0xD;
	s13 =	sand.u32 @!p1 $0x3FFFF0, s13  }
0x1d: {  	s15 =	simm.s32 @!p1 $0x80;
	s12 =	sand.u32 @!p1 $0x2000, s12;
	s13 =	sadd.s32 @!p1 s4, s13  }
0x1e: {  	[tilespmem:s12], [sflag:$0x1] =	stream.strided.gather @!p1 [hbm4b:s13+s14], $0x2000, s15, s14, $0x38;
	[tilespmem:$0x8080] =	vst v63  }
0x1f: {  	p1 =	sge.u32 s31, s6  }
.Ltmp2:
0x20: {  	_ = 	snop;
	(pc) =	sbr.rel @p1 .LBB1_5-.Ltmp2, $1  }
0x21: {  	_ =	sdelay $0x3  }
0x22: {  	s12 =	simm.s32 $0x1  }
0x23: {  	_ =	swait.ge [sflag:s5], $0x2000;
	s12 =	simm.s32 @!p0 $0x0  }
0x24: {  	[sflag:s5] =	ssyncset.done $0x0;
	s13 =	sshll.u32 s12, $0xD  }
0x25: {  	[sflag:s5] =	ssyncadd.s32 $0xFFFFE000;
	s16 =	sor.u32 $0x20, s13  }
0x26: {  	s12 =	smul.u32 $0x8100, s12;
	v3 =	vld [tilespmem:s16+$0x10]  }
0x27: {  	s30 =	sand.u32 $0x1, s10;
	v2 =	vld [tilespmem:s16+$0xFFFFFFF0]  }
0x28: {  	s13 =	smul.u32 $0x8100, s30;
	s12 =	sshrl.u32 s12, $0x2;
	v0 =	vld [tilespmem:s16+$0x0]  }
0x29: {  	v1 =	vld [tilespmem:s16+$0xFFFFFFE0];
	s14 =	sor.u32 $0x4000, s12  }
0x2a: {  	s31 =	sshrl.u32 s13, $0x2;
	s13 =	sadd.s32 $0x0, s14  }
0x2b: {  	s15 =	simm.s32 $0x4;
	s16 =	sadd.s32 $0x40, s16;
	s12 =	sor.u32 $0x4000, s31;
	[tilespmem:s13+$0x1830 ss:$0x81] =	vst.msk $0xffff, v3  }
.LBB1_3:
0x2c: {  	v3 =	vld [tilespmem:s16+$0x10];
	p1 =	sne.s32 s15, $0x1FC;
	[tilespmem:s13+$0x810 ss:$0x81] =	vst.msk $0xffff, v2;
	s17 =	smov.u32 s15;
	s15 =	sadd.s32 $0x4, s15  }
.Ltmp3:
0x2d: {  	v2 =	vld [tilespmem:s16+$0xFFFFFFF0];
	[tilespmem:s13+$0x1020 ss:$0x81] =	vst.msk $0xffff, v0;
	(pc) =	sbr.rel @p1 .LBB1_3-.Ltmp3, $4  }
0x2e: {  	v0 =	vld [tilespmem:s16+$0x0];
	[tilespmem:s13+$0x0 ss:$0x81] =	vst.msk $0xffff, v1  }
0x2f: {  	s13 =	sshra.s32 s17, $0x2;
	v1 =	vld [tilespmem:s16+$0xFFFFFFE0]  }
0x30: {  	s13 =	sadd.s32 s13, s14  }
0x31: {  	s16 =	sadd.s32 $0x40, s16;
	[tilespmem:s13+$0x1830 ss:$0x81] =	vst.msk $0xffff, v3  }
.Ltmp4:
0x32: {  	_ = 	snop;
	(pc) =	sbr.rel .LBB1_4-.Ltmp4, $1  }
0x33: {  	_ =	sdelay $0x3  }
.LBB1_6:
0x34: {  	_ =	sfence.sel $0x180000  }
0x35: {  	s2 =	simm.s32 $0x1;
	[bflag:$0x0] =	sbarrier.arrive $0xFFFF  }
0x36: {  	s31 =	simm.s32 $0x2;
	[sflag:s2] =	ssyncpa.u1 $0x1  }
0x37: {  	[sflag:s31] =	ssyncpa.u1 $0x1  }
0x38: {  	p0 =	sne.s32 s0, $0x0;
	_ =	strace $0x9000004A  }
0x39: {  	s0 =	sadd.s32 @!p0 $0x100000, s1;
	[bflag:$0x2] =	sbarrier.arrive $0xFFFF  }
0x3a: {  	[sflag:s0] =	ssyncadd.tile.s32 @!p0 $0x1;
	_ =	shalt  }
.Lfunc_end1:
_tile_overlayer_lowered:
.L_overlay_start_2:
0x3b: {  	(tag) =	ssettag $0x2  }
0x3c: {  	s0 =	rddreg [dreg:$0x0];
	s2 =	stileid.u32  }
0x3d: {  	s1 =	rddreg [dreg:$0x1];
	p0 =	sne.s32 s2, $0x0  }
0x3e: {  	s3 =	rddreg [dreg:$0x2];
	[bflag:$0x3] =	sbarrier.arrive $0xFFFF;
	s2 =	simm.s32 @!p0 $0x1C01  }
0x3f: {  	[timem:s3], [sflag:s2] =	dma.local @!p0 [hbm:s0], s1  }
0x40: {  	s0 =	simm.s32 @!p0 $0x1  }
0x41: {  	_ =	swait.ge @!p0 [sflag:s0], s1  }
0x42: {  	s1 =	ssub.s32 @!p0 $0x0, s1;
	[sflag:s0] =	ssyncset.done @!p0 $0x0  }
0x43: {  	[sflag:s0] =	ssyncadd.s32 @!p0 s1  }
0x44: {  	[bflag:$0x3] =	sbarrier.arrive $0xFFFF  }
0x45: {  	_ =	shalt  }

// kernel: sparse-core-data-format-call.3.cloned.1.call-start
scs
called_computation.3_lowered:
.L_overlay_start_0:
0x0: {  	s2 =	sld [smem:$0x3FD9]  }
0x1: {  	s3 =	sld [smem:$0x3FFE];
	_ =	sdelay $0x1  }
0x2: {  	s1 =	srdreg.scid  }
0x3: {  	s0 =	sand.u32 $0x1, s1  }
0x4: {  	s16 =	sshll.u32 s0, $0xA;
	s2 =	sadd.s32 s3, s2  }
0x5: {  	s2 =	sadd.s32 s2, s16  }
0x6: {  	[smem:$0x3FC5] =	sst s2  }
0x7: {  	_ = 	snop  }
0x8: {  	s2 =	sld [smem:$0x3FD0];
	_ =	sdelay $0x2  }
0x9: {  	s17 =	simm.s32 $0xD;
	s4 =	simm.s32 $0x10  }
0xa: {  	[smem:s4], [sflag:s17] =	dma.local [hbm:s2], $0x1  }
0xb: {  	_ =	swait.eq [sflag:s17], $0x1  }
0xc: {  	[sflag:s17] =	ssyncset.done $0x0  }
0xd: {  	[sflag:s17] =	ssyncadd.s32 $0xFFFFFFFF  }
0xe: {  	s18 =	sld [smem:$0x10];
	(tm) =	ssettm $0x1  }
0xf: {  	s19 =	sld [smem:$0x3FFB];
	_ =	sdelay $0x3  }
0x10: {  	_ =	strace s19  }
0x11: {  	s2 =	sld [smem:$0x3FFC];
	_ =	sdelay $0x3  }
0x12: {  	_ =	strace s2  }
0x13: {  	s2 =	sld [smem:$0x3FFD];
	_ =	sdelay $0x3  }
0x14: {  	_ =	strace s2  }
0x15: {  	_ =	strace $0x8FFFFFFF  }
0x16: {  	s20 =	sld [smem:$0x3FDB];
	_ =	sdelay $0x1  }
0x17: {  	s21 =	simm.s32 $_scs_section_size  }
0x18: {  	s5 =	simm.s32 $_size__tile_overlayer_lowered;
	s6 =	simm.s32 $_tile_overlayer_lowered  }
0x19: {  	s7 =	simm.s32 $0x1BFF;
	s22 =	sshll.u32 s6, $0x1;
	s4 =	sadd.s32 s21, s20  }
0x1a: {  	s23 =	simm.s32 $0x0;
	s5 =	sshll.u32 s5, $0x1;
	s6 =	sadd.s32 s22, s4  }
0x1b: {  	[timem:s23], [sflag:s7] =	dma.local [hbm:s6], s5  }
0x1c: {  	_ =	swait.ge [sflag:s7], s5  }
0x1d: {  	s5 =	ssub.s32 $0x0, s5;
	[sflag:s7] =	ssyncset.done $0x0  }
0x1e: {  	[sflag:s7] =	ssyncadd.s32 s5;
	_ =	sdelay $0x1  }
0x1f: {  	s24 =	simm.s32 $0x1B8B  }
0x20: {  	_ =	swait.ge [sflag:s24], $0x1  }
0x21: {  	[sflag:s24] =	ssyncset.done $0x0  }
0x22: {  	[sflag:s24] =	ssyncadd.s32 $0xFFFFFFFF  }
0x23: {  	s5 =	sld [smem:$0x0]  }
0x24: {  	s6 =	sand.u32 $0xFFFFFFFE, s1  }
0x25: {  	p0 =	sne.s32 s1, s6  }
0x26: {  	s6 =	sshll.u32 @p0 s6, $0xE  }
0x27: {  	s6 =	sadd.s32 @p0 $0x11B8D, s6;
	s7 =	sshll.u32 @p0 s5, $0x11  }
0x28: {  	s6 =	sor.u32 @p0 s7, s6  }
0x29: {  	[sflag:s6] =	ssyncadd.remote.s32 @p0 $0x1;
	_ =	sdelay $0x1  }
0x2a: {  	s6 =	simm.s32 @p0 $0x1B8D  }
0x2b: {  	_ =	swait.eq @p0 [sflag:s6], $0x1  }
0x2c: {  	[sflag:s6] =	ssyncadd.s32 @p0 $0xFFFFFFFF  }
0x2d: {  	s7 =	sshll.u32 @!p0 s1, $0xE  }
0x2e: {  	s7 =	sor.u32 @!p0 $0x4000, s7;
	s6 =	simm.s32 @!p0 $0x1B8D  }
0x2f: {  	s5 =	sshll.u32 @!p0 s5, $0x11;
	s7 =	sadd.s32 @!p0 $0x11B8D, s7;
	_ =	swait.eq @!p0 [sflag:s6], $0x1  }
0x30: {  	s5 =	sor.u32 @!p0 s5, s7;
	[sflag:s6] =	ssyncadd.s32 @!p0 $0xFFFFFFFF  }
0x31: {  	s26 =	simm.s32 $0x1B8E;
	s25 =	sld [smem:$0x3FFE];
	[sflag:s5] =	ssyncadd.remote.s32 @!p0 $0x1  }
0x32: {  	s27 =	simm.s32 $execute0_lowered;
	[smem:$0x3FD2] =	sst s26  }
0x33: {  	s6 =	sshll.u32 s27, $0x1;
	_ =	strace $0x8000004C;
	[dreg:$0x1] =	wrdreg $0xFFFFFFFF  }
0x34: {  	s28 =	simm.s32 $_size_execute0_lowered;
	s4 =	sadd.s32 s4, s6;
	[dreg:$0x0] =	wrdreg $0x0  }
0x35: {  	s6 =	sshll.u32 s28, $0x1;
	[dreg:$0x2] =	wrdreg s4  }
0x36: {  	[dreg:$0x3] =	wrdreg s6  }
0x37: {  	[dreg:$0x4] =	wrdreg $0xC0  }
0x38: {  	_ =	task [dreg:s23], $0x5FFFF  }
0x39: {  	[dreg:$0x1] =	wrdreg $0xFFFFFFFF  }
0x3a: {  	[dreg:$0x0] =	wrdreg $0x60  }
0x3b: {  	[dreg:$0x2] =	wrdreg s25  }
0x3c: {  	[dreg:$0x3] =	wrdreg s18  }
0x3d: {  	[dreg:$0x4] =	wrdreg $0xC  }
0x3e: {  	_ =	task.clear_ibuf [dreg:s23], $0x5FFFF;
	_ =	strace $0x9000004C  }
0x3f: {  	s29 =	simm.s32 $0xC;
	_ =	strace $0x8000004E  }
0x40: {  	_ =	swait.ge [sflag:s29], $0x1  }
0x41: {  	[sflag:s29] =	ssyncadd.s32 $0xFFFFFFFF  }
0x42: {  	_ =	strace $0x9000004E  }
0x43: {  	_ =	sfence  }
0x44: {  	s30 =	sld [smem:$0x0];
	_ =	sdelay $0x2  }
0x45: {  	s31 =	sshll.u32 s1, $0xD;
	s1 =	sshrl.u32 s1, $0x2  }
0x46: {  	s4 =	sand.u32 $0x4000, s31;
	s1 =	sadd.s32 s1, s30  }
0x47: {  	s0 =	sor.u32 s4, s0;
	s1 =	sshll.u32 s1, $0x11  }
0x48: {  	s0 =	sor.u32 s1, s0  }
0x49: {  	s0 =	sadd.s32 $0x8F2B, s0  }
0x4a: {  	[sflag:s0] =	ssyncadd.remote.s32 $0x1  }
0x4b: {  	_ =	sfence.sel $0xFFFF  }
0x4c: {  	[dreg:$0x0] =	wrdreg $0xFFFFFFFF;
	(pc) =	sbr.abs _section_cstart, $3  }
0x4d: {  	[dreg:$0x1] =	wrdreg $0xFFFFFFFF  }
0x4e: {  	_ =	task.clear_ibuf [dreg:s23], $0x2FFFF;
	_ =	strace $0x9FFFFFFF  }
0x4f: {  	(tm) =	ssettm $0x7FFFFFFF  }
tec
execute0_lowered:
.L_overlay_start_1:
0x0: {  	(tag) =	ssettag $0x1  }
0x1: {  	s0 =	srdreg.scid  }
0x2: {  	s1 =	sshll.u32 s0, $0x4  }
0x3: {  	s4 =	rddreg [dreg:$0x0];
	s0 =	stileid.u32;
	s1 =	sand.u32 $0x10, s1  }
0x4: {  	s2 =	rddreg [dreg:$0x1];
	s7 =	simm.s32 $0x1;
	s1 =	sor.u32 s0, s1  }
0x5: {  	s8 =	simm.s32 $0x2;
	s11 =	simm.s32 $0x0;
	s3 =	sshll.u32 s1, $0x7  }
0x6: {  	s10 =	simm.s32 $0x0;
	s4 =	sadd.s32 $0xC01600, s4;
	s6 =	ssub.s32 $0x40000, s3  }
.Ltmp0:
0x7: {  	s1 =	rddreg [dreg:$0x2];
	s5 =	sand.u32 $0xF80, s6;
	(pc) =	sbr.rel .LBB1_1-.Ltmp0, $4  }
0x8: {  	_ =	strace $0x8000004D;
	s9 =	smov.u32 s3;
	p0 =	sne.s32 s5, $0x0  }
0x9: {  	s6 =	sshrl.u32 s6, $0xC;
	s5 =	simm.s32 $0x1;
	s7 =	simm.s32 @!p0 $0x0  }
0xa: {  	[sflag:s5] =	ssyncpa.u1 $0x0;
	p0 =	por $0x0, $0x0;
	s6 =	sadd.s32 s7, s6  }
0xb: {  	[sflag:s8] =	ssyncpa.u1 $0x0;
	s8 =	simm.s32 $0x200000;
	s7 =	sadd.s32 $0x1, s6  }
.LBB1_4:
0xc: {  	s14 =	sshll.u32 s11, $0x3  }
0xd: {  	s15 =	sand.u32 $0x78, s11;
	s14 =	sand.u32 $0x3FC00, s14  }
0xe: {  	[tilespmem:s13+$0x810 ss:$0x81] =	vst.msk $0xffff, v2;
	s29 =	sand.u32 $0x1F8000, s11;
	s30 =	sand.u32 $0x7, s11;
	s14 =	sor.u32 s15, s14  }
0xf: {  	[tilespmem:s13+$0x1020 ss:$0x81] =	vst.msk $0xffff, v0;
	s11 =	sshll.u32 s30, $0x12;
	s15 =	sadd.s32 s2, s29;
	s14 =	sshrl.u32 s14, $0x3  }
0x10: {  	[tilespmem:s13+$0x0 ss:$0x81] =	vst.msk $0xffff, v1;
	s11 =	sor.u32 $0x400, s11;
	s31 =	sadd.s32 s14, s15  }
0x11: {  	[hbm4b:s31+s11] =	stream.strided.scatter [tilespmem:s12], [sflag:$0x2], $0x2000, s8, s11, $0x20;
	[tilespmem:$0x8080] =	vst v63  }
.LBB1_5:
0x12: {  	s13 =	sadd.s32 $0x1000, s9  }
0x13: {  	p2 =	sgt.s32 s13, $0x3FFFF  }
0x14: {  	s13 =	smov.u32 @p2 s3;
	p2 =	sne.s32 s10, s7  }
.Ltmp1:
0x15: {  	p1 =	slt.u32 s10, $0x2;
	(pc) =	sbr.rel @!p2 .LBB1_6-.Ltmp1, $4  }
0x16: {  	s12 =	simm.s32 @!p1 $0x2  }
0x17: {  	s14 =	sadd.s32 $0x1, s10;
	_ =	swait.ge @!p1 [sflag:s12], $0x2000  }
0x18: {  	s11 =	smov.u32 s9;
	p0 =	por !p0, !p0;
	[sflag:s12] =	ssyncset.done @!p1 $0x0  }
0x19: {  	s10 =	smov.u32 s14;
	s9 =	smov.u32 s13;
	[sflag:s12] =	ssyncadd.s32 @!p1 $0xFFFFE000  }
.LBB1_1:
0x1a: {  	p1 =	sge.u32 s10, s6  }
0x1b: {  	s31 =	sadd.s32 $0xFFFFFFFF, s10;
	s12 =	sxor.u32 @!p1 $0xFFFFFFFF, s10;
	s13 =	sshll.u32 @!p1 s9, $0x4  }
0x1c: {  	s14 =	simm.s32 @!p1 $0x40;
	s12 =	sshll.u32 @!p1 s12, $0xD;
	s13 =	sand.u32 @!p1 $0x3FFFF0, s13  }
0x1d: {  	s15 =	simm.s32 @!p1 $0x80;
	s12 =	sand.u32 @!p1 $0x2000, s12;
	s13 =	sadd.s32 @!p1 s4, s13  }
0x1e: {  	[tilespmem:s12], [sflag:$0x1] =	stream.strided.gather @!p1 [hbm4b:s13+s14], $0x2000, s15, s14, $0x38;
	[tilespmem:$0x8080] =	vst v63  }
0x1f: {  	p1 =	sge.u32 s31, s6  }
.Ltmp2:
0x20: {  	_ = 	snop;
	(pc) =	sbr.rel @p1 .LBB1_5-.Ltmp2, $1  }
0x21: {  	_ =	sdelay $0x3  }
0x22: {  	s12 =	simm.s32 $0x1  }
0x23: {  	_ =	swait.ge [sflag:s5], $0x2000;
	s12 =	simm.s32 @!p0 $0x0  }
0x24: {  	[sflag:s5] =	ssyncset.done $0x0;
	s13 =	sshll.u32 s12, $0xD  }
0x25: {  	[sflag:s5] =	ssyncadd.s32 $0xFFFFE000;
	s16 =	sor.u32 $0x20, s13  }
0x26: {  	s12 =	smul.u32 $0x8100, s12;
	v3 =	vld [tilespmem:s16+$0x10]  }
0x27: {  	s30 =	sand.u32 $0x1, s10;
	v2 =	vld [tilespmem:s16+$0xFFFFFFF0]  }
0x28: {  	s13 =	smul.u32 $0x8100, s30;
	s12 =	sshrl.u32 s12, $0x2;
	v0 =	vld [tilespmem:s16+$0x0]  }
0x29: {  	v1 =	vld [tilespmem:s16+$0xFFFFFFE0];
	s14 =	sor.u32 $0x4000, s12  }
0x2a: {  	s31 =	sshrl.u32 s13, $0x2;
	s13 =	sadd.s32 $0x0, s14  }
0x2b: {  	s15 =	simm.s32 $0x4;
	s16 =	sadd.s32 $0x40, s16;
	s12 =	sor.u32 $0x4000, s31;
	[tilespmem:s13+$0x1830 ss:$0x81] =	vst.msk $0xffff, v3  }
.LBB1_3:
0x2c: {  	v3 =	vld [tilespmem:s16+$0x10];
	p1 =	sne.s32 s15, $0x1FC;
	[tilespmem:s13+$0x810 ss:$0x81] =	vst.msk $0xffff, v2;
	s17 =	smov.u32 s15;
	s15 =	sadd.s32 $0x4, s15  }
.Ltmp3:
0x2d: {  	v2 =	vld [tilespmem:s16+$0xFFFFFFF0];
	[tilespmem:s13+$0x1020 ss:$0x81] =	vst.msk $0xffff, v0;
	(pc) =	sbr.rel @p1 .LBB1_3-.Ltmp3, $4  }
0x2e: {  	v0 =	vld [tilespmem:s16+$0x0];
	[tilespmem:s13+$0x0 ss:$0x81] =	vst.msk $0xffff, v1  }
0x2f: {  	s13 =	sshra.s32 s17, $0x2;
	v1 =	vld [tilespmem:s16+$0xFFFFFFE0]  }
0x30: {  	s13 =	sadd.s32 s13, s14  }
0x31: {  	s16 =	sadd.s32 $0x40, s16;
	[tilespmem:s13+$0x1830 ss:$0x81] =	vst.msk $0xffff, v3  }
.Ltmp4:
0x32: {  	_ = 	snop;
	(pc) =	sbr.rel .LBB1_4-.Ltmp4, $1  }
0x33: {  	_ =	sdelay $0x3  }
.LBB1_6:
0x34: {  	_ =	sfence.sel $0x180000  }
0x35: {  	s2 =	simm.s32 $0x1;
	[bflag:$0x0] =	sbarrier.arrive $0xFFFF  }
0x36: {  	s31 =	simm.s32 $0x2;
	[sflag:s2] =	ssyncpa.u1 $0x1  }
0x37: {  	[sflag:s31] =	ssyncpa.u1 $0x1  }
0x38: {  	p0 =	sne.s32 s0, $0x0;
	_ =	strace $0x9000004D  }
0x39: {  	s0 =	sadd.s32 @!p0 $0x100000, s1;
	[bflag:$0x2] =	sbarrier.arrive $0xFFFF  }
0x3a: {  	[sflag:s0] =	ssyncadd.tile.s32 @!p0 $0x1;
	_ =	shalt  }
.Lfunc_end1:
_tile_overlayer_lowered:
.L_overlay_start_2:
0x3b: {  	(tag) =	ssettag $0x2  }
0x3c: {  	s0 =	rddreg [dreg:$0x0];
	s2 =	stileid.u32  }
0x3d: {  	s1 =	rddreg [dreg:$0x1];
	p0 =	sne.s32 s2, $0x0  }
0x3e: {  	s3 =	rddreg [dreg:$0x2];
	[bflag:$0x3] =	sbarrier.arrive $0xFFFF;
	s2 =	simm.s32 @!p0 $0x1C01  }
0x3f: {  	[timem:s3], [sflag:s2] =	dma.local @!p0 [hbm:s0], s1  }
0x40: {  	s0 =	simm.s32 @!p0 $0x1  }
0x41: {  	_ =	swait.ge @!p0 [sflag:s0], s1  }
0x42: {  	s1 =	ssub.s32 @!p0 $0x0, s1;
	[sflag:s0] =	ssyncset.done @!p0 $0x0  }
0x43: {  	[sflag:s0] =	ssyncadd.s32 @!p0 s1  }
0x44: {  	[bflag:$0x3] =	sbarrier.arrive $0xFFFF  }
0x45: {  	_ =	shalt  }

// kernel: sparse-core-data-format-call.cloned.1.call-start
scs
called_computation_lowered:
.L_overlay_start_0:
0x0: {  	s2 =	sld [smem:$0x3FD9]  }
0x1: {  	s3 =	sld [smem:$0x3FFE];
	_ =	sdelay $0x1  }
0x2: {  	s1 =	srdreg.scid  }
0x3: {  	s0 =	sand.u32 $0x1, s1  }
0x4: {  	s16 =	sshll.u32 s0, $0xA;
	s2 =	sadd.s32 s3, s2  }
0x5: {  	s2 =	sadd.s32 s2, s16  }
0x6: {  	[smem:$0x3FC5] =	sst s2  }
0x7: {  	_ = 	snop  }
0x8: {  	s2 =	sld [smem:$0x3FD0];
	_ =	sdelay $0x2  }
0x9: {  	s17 =	simm.s32 $0xD;
	s4 =	simm.s32 $0x10  }
0xa: {  	[smem:s4], [sflag:s17] =	dma.local [hbm:s2], $0x1  }
0xb: {  	_ =	swait.eq [sflag:s17], $0x1  }
0xc: {  	[sflag:s17] =	ssyncset.done $0x0  }
0xd: {  	[sflag:s17] =	ssyncadd.s32 $0xFFFFFFFF  }
0xe: {  	s18 =	sld [smem:$0x14];
	(tm) =	ssettm $0x1  }
0xf: {  	s19 =	sld [smem:$0x3FFB];
	_ =	sdelay $0x3  }
0x10: {  	_ =	strace s19  }
0x11: {  	s2 =	sld [smem:$0x3FFC];
	_ =	sdelay $0x3  }
0x12: {  	_ =	strace s2  }
0x13: {  	s2 =	sld [smem:$0x3FFD];
	_ =	sdelay $0x3  }
0x14: {  	_ =	strace s2  }
0x15: {  	_ =	strace $0x8FFFFFFF  }
0x16: {  	s20 =	sld [smem:$0x3FDB];
	_ =	sdelay $0x1  }
0x17: {  	s21 =	simm.s32 $_scs_section_size  }
0x18: {  	s5 =	simm.s32 $_size__tile_overlayer_lowered;
	s6 =	simm.s32 $_tile_overlayer_lowered  }
0x19: {  	s7 =	simm.s32 $0x1BFF;
	s22 =	sshll.u32 s6, $0x1;
	s4 =	sadd.s32 s21, s20  }
0x1a: {  	s23 =	simm.s32 $0x0;
	s5 =	sshll.u32 s5, $0x1;
	s6 =	sadd.s32 s22, s4  }
0x1b: {  	[timem:s23], [sflag:s7] =	dma.local [hbm:s6], s5  }
0x1c: {  	_ =	swait.ge [sflag:s7], s5  }
0x1d: {  	s5 =	ssub.s32 $0x0, s5;
	[sflag:s7] =	ssyncset.done $0x0  }
0x1e: {  	[sflag:s7] =	ssyncadd.s32 s5;
	_ =	sdelay $0x1  }
0x1f: {  	s24 =	simm.s32 $0x1B8B  }
0x20: {  	_ =	swait.ge [sflag:s24], $0x1  }
0x21: {  	[sflag:s24] =	ssyncset.done $0x0  }
0x22: {  	[sflag:s24] =	ssyncadd.s32 $0xFFFFFFFF  }
0x23: {  	s5 =	sld [smem:$0x0]  }
0x24: {  	s6 =	sand.u32 $0xFFFFFFFE, s1  }
0x25: {  	p0 =	sne.s32 s1, s6  }
0x26: {  	s6 =	sshll.u32 @p0 s6, $0xE  }
0x27: {  	s6 =	sadd.s32 @p0 $0x11B8D, s6;
	s7 =	sshll.u32 @p0 s5, $0x11  }
0x28: {  	s6 =	sor.u32 @p0 s7, s6  }
0x29: {  	[sflag:s6] =	ssyncadd.remote.s32 @p0 $0x1;
	_ =	sdelay $0x1  }
0x2a: {  	s6 =	simm.s32 @p0 $0x1B8D  }
0x2b: {  	_ =	swait.eq @p0 [sflag:s6], $0x1  }
0x2c: {  	[sflag:s6] =	ssyncadd.s32 @p0 $0xFFFFFFFF  }
0x2d: {  	s7 =	sshll.u32 @!p0 s1, $0xE  }
0x2e: {  	s7 =	sor.u32 @!p0 $0x4000, s7;
	s6 =	simm.s32 @!p0 $0x1B8D  }
0x2f: {  	s5 =	sshll.u32 @!p0 s5, $0x11;
	s7 =	sadd.s32 @!p0 $0x11B8D, s7;
	_ =	swait.eq @!p0 [sflag:s6], $0x1  }
0x30: {  	s5 =	sor.u32 @!p0 s5, s7;
	[sflag:s6] =	ssyncadd.s32 @!p0 $0xFFFFFFFF  }
0x31: {  	s26 =	simm.s32 $0x1B8E;
	s25 =	sld [smem:$0x3FFE];
	[sflag:s5] =	ssyncadd.remote.s32 @!p0 $0x1  }
0x32: {  	s27 =	simm.s32 $execute0_lowered;
	[smem:$0x3FD2] =	sst s26  }
0x33: {  	s6 =	sshll.u32 s27, $0x1;
	_ =	strace $0x8000004F;
	[dreg:$0x1] =	wrdreg $0xFFFFFFFF  }
0x34: {  	s28 =	simm.s32 $_size_execute0_lowered;
	s4 =	sadd.s32 s4, s6;
	[dreg:$0x0] =	wrdreg $0x0  }
0x35: {  	s6 =	sshll.u32 s28, $0x1;
	[dreg:$0x2] =	wrdreg s4  }
0x36: {  	[dreg:$0x3] =	wrdreg s6  }
0x37: {  	[dreg:$0x4] =	wrdreg $0xC0  }
0x38: {  	_ =	task [dreg:s23], $0x5FFFF  }
0x39: {  	[dreg:$0x1] =	wrdreg $0xFFFFFFFF  }
0x3a: {  	[dreg:$0x0] =	wrdreg $0x60  }
0x3b: {  	[dreg:$0x2] =	wrdreg s25  }
0x3c: {  	[dreg:$0x3] =	wrdreg s18  }
0x3d: {  	[dreg:$0x4] =	wrdreg $0x9  }
0x3e: {  	_ =	task.clear_ibuf [dreg:s23], $0x5FFFF;
	_ =	strace $0x9000004F  }
0x3f: {  	s29 =	simm.s32 $0x9;
	_ =	strace $0x80000051  }
0x40: {  	_ =	swait.ge [sflag:s29], $0x1  }
0x41: {  	[sflag:s29] =	ssyncadd.s32 $0xFFFFFFFF  }
0x42: {  	_ =	strace $0x90000051  }
0x43: {  	_ =	sfence  }
0x44: {  	s30 =	sld [smem:$0x0];
	_ =	sdelay $0x2  }
0x45: {  	s31 =	sshll.u32 s1, $0xD;
	s1 =	sshrl.u32 s1, $0x2  }
0x46: {  	s4 =	sand.u32 $0x4000, s31;
	s1 =	sadd.s32 s1, s30  }
0x47: {  	s0 =	sor.u32 s4, s0;
	s1 =	sshll.u32 s1, $0x11  }
0x48: {  	s0 =	sor.u32 s1, s0  }
0x49: {  	s0 =	sadd.s32 $0x8F2B, s0  }
0x4a: {  	[sflag:s0] =	ssyncadd.remote.s32 $0x1  }
0x4b: {  	_ =	sfence.sel $0xFFFF  }
0x4c: {  	[dreg:$0x0] =	wrdreg $0xFFFFFFFF;
	(pc) =	sbr.abs _section_cstart, $3  }
0x4d: {  	[dreg:$0x1] =	wrdreg $0xFFFFFFFF  }
0x4e: {  	_ =	task.clear_ibuf [dreg:s23], $0x2FFFF;
	_ =	strace $0x9FFFFFFF  }
0x4f: {  	(tm) =	ssettm $0x7FFFFFFF  }
tec
execute0_lowered:
.L_overlay_start_1:
0x0: {  	(tag) =	ssettag $0x1  }
0x1: {  	s0 =	srdreg.scid  }
0x2: {  	s1 =	sshll.u32 s0, $0x4  }
0x3: {  	s4 =	rddreg [dreg:$0x0];
	s0 =	stileid.u32;
	s1 =	sand.u32 $0x10, s1  }
0x4: {  	s2 =	rddreg [dreg:$0x1];
	s7 =	simm.s32 $0x1;
	s1 =	sor.u32 s0, s1  }
0x5: {  	s8 =	simm.s32 $0x2;
	s11 =	simm.s32 $0x0;
	s3 =	sshll.u32 s1, $0x7  }
0x6: {  	s10 =	simm.s32 $0x0;
	s4 =	sadd.s32 $0x1001600, s4;
	s6 =	ssub.s32 $0x40000, s3  }
.Ltmp0:
0x7: {  	s1 =	rddreg [dreg:$0x2];
	s5 =	sand.u32 $0xF80, s6;
	(pc) =	sbr.rel .LBB1_1-.Ltmp0, $4  }
0x8: {  	_ =	strace $0x80000050;
	s9 =	smov.u32 s3;
	p0 =	sne.s32 s5, $0x0  }
0x9: {  	s6 =	sshrl.u32 s6, $0xC;
	s5 =	simm.s32 $0x1;
	s7 =	simm.s32 @!p0 $0x0  }
0xa: {  	[sflag:s5] =	ssyncpa.u1 $0x0;
	p0 =	por $0x0, $0x0;
	s6 =	sadd.s32 s7, s6  }
0xb: {  	[sflag:s8] =	ssyncpa.u1 $0x0;
	s8 =	simm.s32 $0x200000;
	s7 =	sadd.s32 $0x1, s6  }
.LBB1_4:
0xc: {  	s14 =	sshll.u32 s11, $0x3  }
0xd: {  	s15 =	sand.u32 $0x78, s11;
	s14 =	sand.u32 $0x3FC00, s14  }
0xe: {  	[tilespmem:s13+$0x810 ss:$0x81] =	vst.msk $0xffff, v2;
	s29 =	sand.u32 $0x1F8000, s11;
	s30 =	sand.u32 $0x7, s11;
	s14 =	sor.u32 s15, s14  }
0xf: {  	[tilespmem:s13+$0x1020 ss:$0x81] =	vst.msk $0xffff, v0;
	s11 =	sshll.u32 s30, $0x12;
	s15 =	sadd.s32 s2, s29;
	s14 =	sshrl.u32 s14, $0x3  }
0x10: {  	[tilespmem:s13+$0x0 ss:$0x81] =	vst.msk $0xffff, v1;
	s11 =	sor.u32 $0x400, s11;
	s31 =	sadd.s32 s14, s15  }
0x11: {  	[hbm4b:s31+s11] =	stream.strided.scatter [tilespmem:s12], [sflag:$0x2], $0x2000, s8, s11, $0x20;
	[tilespmem:$0x8080] =	vst v63  }
.LBB1_5:
0x12: {  	s13 =	sadd.s32 $0x1000, s9  }
0x13: {  	p2 =	sgt.s32 s13, $0x3FFFF  }
0x14: {  	s13 =	smov.u32 @p2 s3;
	p2 =	sne.s32 s10, s7  }
.Ltmp1:
0x15: {  	p1 =	slt.u32 s10, $0x2;
	(pc) =	sbr.rel @!p2 .LBB1_6-.Ltmp1, $4  }
0x16: {  	s12 =	simm.s32 @!p1 $0x2  }
0x17: {  	s14 =	sadd.s32 $0x1, s10;
	_ =	swait.ge @!p1 [sflag:s12], $0x2000  }
0x18: {  	s11 =	smov.u32 s9;
	p0 =	por !p0, !p0;
	[sflag:s12] =	ssyncset.done @!p1 $0x0  }
0x19: {  	s10 =	smov.u32 s14;
	s9 =	smov.u32 s13;
	[sflag:s12] =	ssyncadd.s32 @!p1 $0xFFFFE000  }
.LBB1_1:
0x1a: {  	p1 =	sge.u32 s10, s6  }
0x1b: {  	s31 =	sadd.s32 $0xFFFFFFFF, s10;
	s12 =	sxor.u32 @!p1 $0xFFFFFFFF, s10;
	s13 =	sshll.u32 @!p1 s9, $0x4  }
0x1c: {  	s14 =	simm.s32 @!p1 $0x40;
	s12 =	sshll.u32 @!p1 s12, $0xD;
	s13 =	sand.u32 @!p1 $0x3FFFF0, s13  }
0x1d: {  	s15 =	simm.s32 @!p1 $0x80;
	s12 =	sand.u32 @!p1 $0x2000, s12;
	s13 =	sadd.s32 @!p1 s4, s13  }
0x1e: {  	[tilespmem:s12], [sflag:$0x1] =	stream.strided.gather @!p1 [hbm4b:s13+s14], $0x2000, s15, s14, $0x38;
	[tilespmem:$0x8080] =	vst v63  }
0x1f: {  	p1 =	sge.u32 s31, s6  }
.Ltmp2:
0x20: {  	_ = 	snop;
	(pc) =	sbr.rel @p1 .LBB1_5-.Ltmp2, $1  }
0x21: {  	_ =	sdelay $0x3  }
0x22: {  	s12 =	simm.s32 $0x1  }
0x23: {  	_ =	swait.ge [sflag:s5], $0x2000;
	s12 =	simm.s32 @!p0 $0x0  }
0x24: {  	[sflag:s5] =	ssyncset.done $0x0;
	s13 =	sshll.u32 s12, $0xD  }
0x25: {  	[sflag:s5] =	ssyncadd.s32 $0xFFFFE000;
	s16 =	sor.u32 $0x20, s13  }
0x26: {  	s12 =	smul.u32 $0x8100, s12;
	v3 =	vld [tilespmem:s16+$0x10]  }
0x27: {  	s30 =	sand.u32 $0x1, s10;
	v2 =	vld [tilespmem:s16+$0xFFFFFFF0]  }
0x28: {  	s13 =	smul.u32 $0x8100, s30;
	s12 =	sshrl.u32 s12, $0x2;
	v0 =	vld [tilespmem:s16+$0x0]  }
0x29: {  	v1 =	vld [tilespmem:s16+$0xFFFFFFE0];
	s14 =	sor.u32 $0x4000, s12  }
0x2a: {  	s31 =	sshrl.u32 s13, $0x2;
	s13 =	sadd.s32 $0x0, s14  }
0x2b: {  	s15 =	simm.s32 $0x4;
	s16 =	sadd.s32 $0x40, s16;
	s12 =	sor.u32 $0x4000, s31;
	[tilespmem:s13+$0x1830 ss:$0x81] =	vst.msk $0xffff, v3  }
.LBB1_3:
0x2c: {  	v3 =	vld [tilespmem:s16+$0x10];
	p1 =	sne.s32 s15, $0x1FC;
	[tilespmem:s13+$0x810 ss:$0x81] =	vst.msk $0xffff, v2;
	s17 =	smov.u32 s15;
	s15 =	sadd.s32 $0x4, s15  }
.Ltmp3:
0x2d: {  	v2 =	vld [tilespmem:s16+$0xFFFFFFF0];
	[tilespmem:s13+$0x1020 ss:$0x81] =	vst.msk $0xffff, v0;
	(pc) =	sbr.rel @p1 .LBB1_3-.Ltmp3, $4  }
0x2e: {  	v0 =	vld [tilespmem:s16+$0x0];
	[tilespmem:s13+$0x0 ss:$0x81] =	vst.msk $0xffff, v1  }
0x2f: {  	s13 =	sshra.s32 s17, $0x2;
	v1 =	vld [tilespmem:s16+$0xFFFFFFE0]  }
0x30: {  	s13 =	sadd.s32 s13, s14  }
0x31: {  	s16 =	sadd.s32 $0x40, s16;
	[tilespmem:s13+$0x1830 ss:$0x81] =	vst.msk $0xffff, v3  }
.Ltmp4:
0x32: {  	_ = 	snop;
	(pc) =	sbr.rel .LBB1_4-.Ltmp4, $1  }
0x33: {  	_ =	sdelay $0x3  }
.LBB1_6:
0x34: {  	_ =	sfence.sel $0x180000  }
0x35: {  	s2 =	simm.s32 $0x1;
	[bflag:$0x0] =	sbarrier.arrive $0xFFFF  }
0x36: {  	s31 =	simm.s32 $0x2;
	[sflag:s2] =	ssyncpa.u1 $0x1  }
0x37: {  	[sflag:s31] =	ssyncpa.u1 $0x1  }
0x38: {  	p0 =	sne.s32 s0, $0x0;
	_ =	strace $0x90000050  }
0x39: {  	s0 =	sadd.s32 @!p0 $0x100000, s1;
	[bflag:$0x2] =	sbarrier.arrive $0xFFFF  }
0x3a: {  	[sflag:s0] =	ssyncadd.tile.s32 @!p0 $0x1;
	_ =	shalt  }
.Lfunc_end1:
_tile_overlayer_lowered:
.L_overlay_start_2:
0x3b: {  	(tag) =	ssettag $0x2  }
0x3c: {  	s0 =	rddreg [dreg:$0x0];
	s2 =	stileid.u32  }
0x3d: {  	s1 =	rddreg [dreg:$0x1];
	p0 =	sne.s32 s2, $0x0  }
0x3e: {  	s3 =	rddreg [dreg:$0x2];
	[bflag:$0x3] =	sbarrier.arrive $0xFFFF;
	s2 =	simm.s32 @!p0 $0x1C01  }
0x3f: {  	[timem:s3], [sflag:s2] =	dma.local @!p0 [hbm:s0], s1  }
0x40: {  	s0 =	simm.s32 @!p0 $0x1  }
0x41: {  	_ =	swait.ge @!p0 [sflag:s0], s1  }
0x42: {  	s1 =	ssub.s32 @!p0 $0x0, s1;
	[sflag:s0] =	ssyncset.done @!p0 $0x0  }
0x43: {  	[sflag:s0] =	ssyncadd.s32 @!p0 s1  }
0x44: {  	[bflag:$0x3] =	sbarrier.arrive $0xFFFF  }
0x45: {  	_ =	shalt  }

</sc_bundles>
